<compile_context>
chip_gen: v7x
topology: tpu7x:2x2x1
jax: 0.10.2.dev20260603
libtpu: 0.0.44.dev20260713+nightly
codegen_flags: <defaults>
</compile_context>

<pallas_src>
import jax
import jax.numpy as jnp
from jax import lax
from jax.experimental import pallas as pl
from jax.experimental.pallas import tpu as pltpu
from jax.experimental.pallas import tpu_sc as plsc

_ALPHA = 0.5
_N = 4096
_D = 1024
_L = 16
_CHUNKS = _N // _L


def _ksom_body(xt_hbm, w_hbm, wout_hbm, wins_hbm, xt_v, w_v, wins_v):
    c = lax.axis_index("c")
    s = lax.axis_index("s")
    wid = s * 2 + c

    @pl.when(wid == 0)
    def _():
        pltpu.sync_copy(xt_hbm, xt_v)
        pltpu.sync_copy(w_hbm, w_v)

        row0 = w_v[0, pl.ds(0, _L)]
        row1 = w_v[1, pl.ds(0, _L)]
        init = (row0[0], row1[0], row0[1], row1[1])

        lane = lax.iota(jnp.int32, _L)

        def chunk(k, carry):
            base = k * _L
            a_vec = xt_v[0, pl.ds(base, _L)]
            b_vec = xt_v[1, pl.ds(base, _L)]
            pack = jnp.int32(0)
            for j in range(_L):
                w00, w10, w01, w11 = carry
                a = a_vec[j]
                b = b_vec[j]
                e1 = a - w00
                e2 = a - w10
                d1 = e1 * e1
                d2 = e2 * e2
                win0 = d1 < d2
                pack = pack | (jnp.where(win0, 0, 1) << j)
                n00 = w00 + _ALPHA * e1
                n10 = w10 + _ALPHA * e2
                n01 = w01 + _ALPHA * (b - w01)
                n11 = w11 + _ALPHA * (b - w11)
                carry = (
                    jnp.where(win0, n00, w00),
                    jnp.where(win0, w10, n10),
                    jnp.where(win0, n01, w01),
                    jnp.where(win0, w11, n11),
                )
            win_vec = (jnp.broadcast_to(pack, (_L,)) >> lane) & 1
            wins_v[pl.ds(base, _L)] = win_vec
            return carry

        w00, w10, w01, w11 = lax.fori_loop(0, _CHUNKS, chunk, init)

        new0 = jnp.where(lane == 0, w00, jnp.where(lane == 1, w01, row0))
        new1 = jnp.where(lane == 0, w10, jnp.where(lane == 1, w11, row1))
        w_v[0, pl.ds(0, _L)] = new0
        w_v[1, pl.ds(0, _L)] = new1

        pltpu.sync_copy(w_v, wout_hbm)
        pltpu.sync_copy(wins_v, wins_hbm)


@jax.jit
def kernel(x, weights):
    xt = lax.slice(x, (0, 0), (_N, 2)).T
    mesh = plsc.VectorSubcoreMesh(core_axis_name="c", subcore_axis_name="s")
    run = pl.kernel(
        _ksom_body,
        out_type=(
            jax.ShapeDtypeStruct((2, _D), jnp.float32),
            jax.ShapeDtypeStruct((_N,), jnp.int32),
        ),
        mesh=mesh,
        scratch_types=(
            pltpu.VMEM((2, _N), jnp.float32),
            pltpu.VMEM((2, _D), jnp.float32),
            pltpu.VMEM((_N,), jnp.int32),
        ),
    )
    final_w, wins = run(xt, weights)
    return final_w, wins

# --- scband reference (transcript-rebuilt; emitter-appended) ---
"""Pipeline reference for scband-ksom-31138512896638 (READ-ONLY COPY).

The authoritative reference and input builder live on the scoring server;
editing this copy changes nothing except your own understanding.
"""

import jax, jax.numpy as jnp
import numpy as np

ALPHA = 0.5


def setup_inputs(seed: int = 0) -> dict:
    key = jax.random.key(seed)
    k1, k2 = jax.random.split(key)
    x = jax.random.normal(k1, (4096, 1024), dtype=jnp.float32)
    weights = jax.random.uniform(k2, (2, 1024), dtype=jnp.float32)
    return {"x": x, "weights": weights}


def reference(x, weights):
    # Faithful translation of KSOM.winning_neuron + KSOM.update applied
    # online over a stream of input vectors x[b].
    #
    # NOTE on faithfulness: the original winning_neuron has the `return`
    # inside the loop body, so it always returns after i == 0, i.e. the
    # winner is decided by the FIRST coordinate only:
    #   win = 0 if (x[0]-w[0,0])**2 < (x[0]-w[1,0])**2 else 1
    # Likewise, update() iterates `range(len(weights))` == range(2) (number
    # of rows, not feature dim), so only coordinates 0 and 1 of the winning
    # row are moved toward x. Both behaviors are replicated exactly.
    def step(w, xi):
        d1 = jnp.square(xi[0] - w[0, 0])
        d2 = jnp.square(xi[0] - w[1, 0])
        win = jnp.where(d1 < d2, 0, 1)
        # update(): for i in range(len(weights)) -> i in {0, 1}
        cur = jax.lax.dynamic_slice(w, (win, 0), (1, 2))  # w[win, 0:2]
        new_vals = cur + ALPHA * (xi[0:2][None, :] - cur)
        w = jax.lax.dynamic_update_slice(w, new_vals, (win, 0))
        return w, win

    final_w, wins = jax.lax.scan(step, weights, x)
    return final_w, wins

if __name__ == "__main__":
    import jax
    _d = setup_inputs()
    print(jax.jit(kernel)(*tuple(_d.values())))

</pallas_src>

<mosaic_0001>
#map = affine_map<(d0, d1) -> (0, 0)>
#map1 = affine_map<(d0, d1) -> (0)>
module attributes {stable_mosaic.version = 14 : i64} {
  func.func @_ksom_body(%arg0: i32, %arg1: i32, %arg2: memref<2x4096xf32, #tpu.memory_space<hbm>>, %arg3: memref<2x1024xf32, #tpu.memory_space<hbm>>, %arg4: memref<2x1024xf32, #tpu.memory_space<hbm>>, %arg5: memref<4096xi32, #tpu.memory_space<hbm>>, %arg6: memref<2x4096xf32, #tpu.memory_space<vmem>>, %arg7: memref<2x1024xf32, #tpu.memory_space<vmem>>, %arg8: memref<4096xi32, #tpu.memory_space<vmem>>) attributes {dimension_semantics = [#tpu.dimension_semantics<core_parallel>, #tpu.dimension_semantics<subcore_parallel>], iteration_bounds = array<i64: 2, 16>, scalar_prefetch = 0 : i64, scratch_operands = 3 : i64, tpu.core_type = #tpu.core_type<sc_vector_subcore>, window_params = [{transform_indices = #map}, {transform_indices = #map}, {transform_indices = #map}, {transform_indices = #map1}]} {
    %mul3A = arith.constant 2 : i32
    %mul3A_0 = arith.muli %arg1, %mul3A : i32
    %add3A = arith.addi %mul3A_0, %arg0 : i32
    %eq3A = arith.constant 0 : i32
    %eq3A_1 = arith.cmpi eq, %add3A, %eq3A : i32
    %convert_element_type3A = arith.extui %eq3A_1 : i1 to i32
    %cond3A = arith.constant 0 : i32
    %cond3A_2 = arith.cmpi ne, %convert_element_type3A, %cond3A : i32
    scf.if %cond3A_2 {
      "tpu.region"() ({
        %run_scoped3A = tpu.sem_alloc : memref<!tpu.dma_semaphore, #tpu.memory_space<semaphore_mem>>
        tpu.enqueue_dma source(%arg2 : memref<2x4096xf32, #tpu.memory_space<hbm>>) target(%arg6 : memref<2x4096xf32, #tpu.memory_space<vmem>>) target_semaphore(%run_scoped3A : memref<!tpu.dma_semaphore, #tpu.memory_space<semaphore_mem>>)
        tpu.wait_dma2 semaphore(%run_scoped3A : memref<!tpu.dma_semaphore, #tpu.memory_space<semaphore_mem>>) src(%arg2 : memref<2x4096xf32, #tpu.memory_space<hbm>>) dst(%arg6 : memref<2x4096xf32, #tpu.memory_space<vmem>>)
        tpu.yield
      }) : () -> ()
      "tpu.region"() ({
        %run_scoped3A = tpu.sem_alloc : memref<!tpu.dma_semaphore, #tpu.memory_space<semaphore_mem>>
        tpu.enqueue_dma source(%arg3 : memref<2x1024xf32, #tpu.memory_space<hbm>>) target(%arg7 : memref<2x1024xf32, #tpu.memory_space<vmem>>) target_semaphore(%run_scoped3A : memref<!tpu.dma_semaphore, #tpu.memory_space<semaphore_mem>>)
        tpu.wait_dma2 semaphore(%run_scoped3A : memref<!tpu.dma_semaphore, #tpu.memory_space<semaphore_mem>>) src(%arg3 : memref<2x1024xf32, #tpu.memory_space<hbm>>) dst(%arg7 : memref<2x1024xf32, #tpu.memory_space<vmem>>)
        tpu.yield
      }) : () -> ()
      %get3A = arith.constant 0 : i32
      %get3A_3 = arith.index_cast %get3A : i32 to index
      %get3A_4 = arith.constant 0 : index
      %get3A_5 = tpu.vector_load %arg7[%get3A_3, %get3A_4] {strides = array<i32>} : memref<2x1024xf32, #tpu.memory_space<vmem>>, vector<1x16xf32>,
      %get3A_6 = vector.shape_cast %get3A_5 : vector<1x16xf32> to vector<16xf32>
      %get3A_7 = arith.constant 1 : i32
      %get3A_8 = arith.index_cast %get3A_7 : i32 to index
      %get3A_9 = arith.constant 0 : index
      %get3A_10 = tpu.vector_load %arg7[%get3A_8, %get3A_9] {strides = array<i32>} : memref<2x1024xf32, #tpu.memory_space<vmem>>, vector<1x16xf32>,
      %get3A_11 = vector.shape_cast %get3A_10 : vector<1x16xf32> to vector<16xf32>
      %slice3A = vector.extract_strided_slice %get3A_6 {offsets = [0], sizes = [1], strides = [1]} : vector<16xf32> to vector<1xf32>
      %squeeze3A = vector.extract %slice3A[0] : f32 from vector<1xf32>
      %slice3A_12 = vector.extract_strided_slice %get3A_11 {offsets = [0], sizes = [1], strides = [1]} : vector<16xf32> to vector<1xf32>
      %squeeze3A_13 = vector.extract %slice3A_12[0] : f32 from vector<1xf32>
      %slice3A_14 = vector.extract_strided_slice %get3A_6 {offsets = [1], sizes = [1], strides = [1]} : vector<16xf32> to vector<1xf32>
      %squeeze3A_15 = vector.extract %slice3A_14[0] : f32 from vector<1xf32>
      %slice3A_16 = vector.extract_strided_slice %get3A_11 {offsets = [1], sizes = [1], strides = [1]} : vector<16xf32> to vector<1xf32>
      %squeeze3A_17 = vector.extract %slice3A_16[0] : f32 from vector<1xf32>
      %iota3A = tpu.iota {dimensions = array<i32: 0>} : vector<16xi32>
      %scan3A = arith.constant 0 : i32
      %scan3A_18 = arith.constant 256 : i32
      %scan3A_19 = arith.addi %scan3A, %scan3A_18 : i32
      %scan3A_20 = arith.constant 1 : i32
      %scan3A_21:4 = scf.for %scan3A_52 = %scan3A to %scan3A_19 step %scan3A_20 iter_args(%scan3A_53 = %squeeze3A, %scan3A_54 = %squeeze3A_13, %scan3A_55 = %squeeze3A_15, %scan3A_56 = %squeeze3A_17) -> (f32, f32, f32, f32)  : i32 {
        %mul3A_57 = arith.constant 16 : i32
        %mul3A_58 = arith.muli %scan3A_52, %mul3A_57 : i32
        %get3A_59 = arith.constant 0 : i32
        %get3A_60 = arith.index_cast %get3A_59 : i32 to index
        %get3A_61 = arith.index_cast %mul3A_58 : i32 to index
        %get3A_62 = tpu.vector_load %arg6[%get3A_60, %get3A_61] {strides = array<i32>} : memref<2x4096xf32, #tpu.memory_space<vmem>>, vector<1x16xf32>,
        %get3A_63 = vector.shape_cast %get3A_62 : vector<1x16xf32> to vector<16xf32>
        %get3A_64 = arith.constant 1 : i32
        %get3A_65 = arith.index_cast %get3A_64 : i32 to index
        %get3A_66 = arith.index_cast %mul3A_58 : i32 to index
        %get3A_67 = tpu.vector_load %arg6[%get3A_65, %get3A_66] {strides = array<i32>} : memref<2x4096xf32, #tpu.memory_space<vmem>>, vector<1x16xf32>,
        %get3A_68 = vector.shape_cast %get3A_67 : vector<1x16xf32> to vector<16xf32>
        %slice3A_69 = vector.extract_strided_slice %get3A_63 {offsets = [0], sizes = [1], strides = [1]} : vector<16xf32> to vector<1xf32>
        %squeeze3A_70 = vector.extract %slice3A_69[0] : f32 from vector<1xf32>
        %slice3A_71 = vector.extract_strided_slice %get3A_68 {offsets = [0], sizes = [1], strides = [1]} : vector<16xf32> to vector<1xf32>
        %squeeze3A_72 = vector.extract %slice3A_71[0] : f32 from vector<1xf32>
        %sub3A = arith.subf %squeeze3A_70, %scan3A_53 : f32
        %sub3A_73 = arith.subf %squeeze3A_70, %scan3A_54 : f32
        %mul3A_74 = arith.mulf %sub3A, %sub3A : f32
        %mul3A_75 = arith.mulf %sub3A_73, %sub3A_73 : f32
        %lt3A = arith.cmpf olt, %mul3A_74, %mul3A_75 : f32
        %jit3A = arith.constant 0 : i32
        %jit3A_76 = arith.constant 1 : i32
        %select_n3A_77 = arith.select %lt3A, %jit3A, %jit3A_76 : i32
        %shift_left3A = arith.constant 0 : i32
        %shift_left3A_78 = arith.shli %select_n3A_77, %shift_left3A : i32
        %or3A = arith.constant 0 : i32
        %or3A_79 = arith.ori %or3A, %shift_left3A_78 : i32
        %mul3A_80 = arith.constant 5.000000e-01 : f32
        %mul3A_81 = arith.mulf %mul3A_80, %sub3A : f32
        %add3A_82 = arith.addf %scan3A_53, %mul3A_81 : f32
        %mul3A_83 = arith.constant 5.000000e-01 : f32
        %mul3A_84 = arith.mulf %mul3A_83, %sub3A_73 : f32
        %add3A_85 = arith.addf %scan3A_54, %mul3A_84 : f32
        %sub3A_86 = arith.subf %squeeze3A_72, %scan3A_55 : f32
        %mul3A_87 = arith.constant 5.000000e-01 : f32
        %mul3A_88 = arith.mulf %mul3A_87, %sub3A_86 : f32
        %add3A_89 = arith.addf %scan3A_55, %mul3A_88 : f32
        %sub3A_90 = arith.subf %squeeze3A_72, %scan3A_56 : f32
        %mul3A_91 = arith.constant 5.000000e-01 : f32
        %mul3A_92 = arith.mulf %mul3A_91, %sub3A_90 : f32
        %add3A_93 = arith.addf %scan3A_56, %mul3A_92 : f32
        %select_n3A_94 = arith.select %lt3A, %add3A_82, %scan3A_53 : f32
        %select_n3A_95 = arith.select %lt3A, %scan3A_54, %add3A_85 : f32
        %select_n3A_96 = arith.select %lt3A, %add3A_89, %scan3A_55 : f32
        %select_n3A_97 = arith.select %lt3A, %scan3A_56, %add3A_93 : f32
        %slice3A_98 = vector.extract_strided_slice %get3A_63 {offsets = [1], sizes = [1], strides = [1]} : vector<16xf32> to vector<1xf32>
        %squeeze3A_99 = vector.extract %slice3A_98[0] : f32 from vector<1xf32>
        %slice3A_100 = vector.extract_strided_slice %get3A_68 {offsets = [1], sizes = [1], strides = [1]} : vector<16xf32> to vector<1xf32>
        %squeeze3A_101 = vector.extract %slice3A_100[0] : f32 from vector<1xf32>
        %sub3A_102 = arith.subf %squeeze3A_99, %select_n3A_94 : f32
        %sub3A_103 = arith.subf %squeeze3A_99, %select_n3A_95 : f32
        %mul3A_104 = arith.mulf %sub3A_102, %sub3A_102 : f32
        %mul3A_105 = arith.mulf %sub3A_103, %sub3A_103 : f32
        %lt3A_106 = arith.cmpf olt, %mul3A_104, %mul3A_105 : f32
        %jit3A_107 = arith.constant 0 : i32
        %jit3A_108 = arith.constant 1 : i32
        %select_n3A_109 = arith.select %lt3A_106, %jit3A_107, %jit3A_108 : i32
        %shift_left3A_110 = arith.constant 1 : i32
        %shift_left3A_111 = arith.shli %select_n3A_109, %shift_left3A_110 : i32
        %or3A_112 = arith.ori %or3A_79, %shift_left3A_111 : i32
        %mul3A_113 = arith.constant 5.000000e-01 : f32
        %mul3A_114 = arith.mulf %mul3A_113, %sub3A_102 : f32
        %add3A_115 = arith.addf %select_n3A_94, %mul3A_114 : f32
        %mul3A_116 = arith.constant 5.000000e-01 : f32
        %mul3A_117 = arith.mulf %mul3A_116, %sub3A_103 : f32
        %add3A_118 = arith.addf %select_n3A_95, %mul3A_117 : f32
        %sub3A_119 = arith.subf %squeeze3A_101, %select_n3A_96 : f32
        %mul3A_120 = arith.constant 5.000000e-01 : f32
        %mul3A_121 = arith.mulf %mul3A_120, %sub3A_119 : f32
        %add3A_122 = arith.addf %select_n3A_96, %mul3A_121 : f32
        %sub3A_123 = arith.subf %squeeze3A_101, %select_n3A_97 : f32
        %mul3A_124 = arith.constant 5.000000e-01 : f32
        %mul3A_125 = arith.mulf %mul3A_124, %sub3A_123 : f32
        %add3A_126 = arith.addf %select_n3A_97, %mul3A_125 : f32
        %select_n3A_127 = arith.select %lt3A_106, %add3A_115, %select_n3A_94 : f32
        %select_n3A_128 = arith.select %lt3A_106, %select_n3A_95, %add3A_118 : f32
        %select_n3A_129 = arith.select %lt3A_106, %add3A_122, %select_n3A_96 : f32
        %select_n3A_130 = arith.select %lt3A_106, %select_n3A_97, %add3A_126 : f32
        %slice3A_131 = vector.extract_strided_slice %get3A_63 {offsets = [2], sizes = [1], strides = [1]} : vector<16xf32> to vector<1xf32>
        %squeeze3A_132 = vector.extract %slice3A_131[0] : f32 from vector<1xf32>
        %slice3A_133 = vector.extract_strided_slice %get3A_68 {offsets = [2], sizes = [1], strides = [1]} : vector<16xf32> to vector<1xf32>
        %squeeze3A_134 = vector.extract %slice3A_133[0] : f32 from vector<1xf32>
        %sub3A_135 = arith.subf %squeeze3A_132, %select_n3A_127 : f32
        %sub3A_136 = arith.subf %squeeze3A_132, %select_n3A_128 : f32
        %mul3A_137 = arith.mulf %sub3A_135, %sub3A_135 : f32
        %mul3A_138 = arith.mulf %sub3A_136, %sub3A_136 : f32
        %lt3A_139 = arith.cmpf olt, %mul3A_137, %mul3A_138 : f32
        %jit3A_140 = arith.constant 0 : i32
        %jit3A_141 = arith.constant 1 : i32
        %select_n3A_142 = arith.select %lt3A_139, %jit3A_140, %jit3A_141 : i32
        %shift_left3A_143 = arith.constant 2 : i32
        %shift_left3A_144 = arith.shli %select_n3A_142, %shift_left3A_143 : i32
        %or3A_145 = arith.ori %or3A_112, %shift_left3A_144 : i32
        %mul3A_146 = arith.constant 5.000000e-01 : f32
        %mul3A_147 = arith.mulf %mul3A_146, %sub3A_135 : f32
        %add3A_148 = arith.addf %select_n3A_127, %mul3A_147 : f32
        %mul3A_149 = arith.constant 5.000000e-01 : f32
        %mul3A_150 = arith.mulf %mul3A_149, %sub3A_136 : f32
        %add3A_151 = arith.addf %select_n3A_128, %mul3A_150 : f32
        %sub3A_152 = arith.subf %squeeze3A_134, %select_n3A_129 : f32
        %mul3A_153 = arith.constant 5.000000e-01 : f32
        %mul3A_154 = arith.mulf %mul3A_153, %sub3A_152 : f32
        %add3A_155 = arith.addf %select_n3A_129, %mul3A_154 : f32
        %sub3A_156 = arith.subf %squeeze3A_134, %select_n3A_130 : f32
        %mul3A_157 = arith.constant 5.000000e-01 : f32
        %mul3A_158 = arith.mulf %mul3A_157, %sub3A_156 : f32
        %add3A_159 = arith.addf %select_n3A_130, %mul3A_158 : f32
        %select_n3A_160 = arith.select %lt3A_139, %add3A_148, %select_n3A_127 : f32
        %select_n3A_161 = arith.select %lt3A_139, %select_n3A_128, %add3A_151 : f32
        %select_n3A_162 = arith.select %lt3A_139, %add3A_155, %select_n3A_129 : f32
        %select_n3A_163 = arith.select %lt3A_139, %select_n3A_130, %add3A_159 : f32
        %slice3A_164 = vector.extract_strided_slice %get3A_63 {offsets = [3], sizes = [1], strides = [1]} : vector<16xf32> to vector<1xf32>
        %squeeze3A_165 = vector.extract %slice3A_164[0] : f32 from vector<1xf32>
        %slice3A_166 = vector.extract_strided_slice %get3A_68 {offsets = [3], sizes = [1], strides = [1]} : vector<16xf32> to vector<1xf32>
        %squeeze3A_167 = vector.extract %slice3A_166[0] : f32 from vector<1xf32>
        %sub3A_168 = arith.subf %squeeze3A_165, %select_n3A_160 : f32
        %sub3A_169 = arith.subf %squeeze3A_165, %select_n3A_161 : f32
        %mul3A_170 = arith.mulf %sub3A_168, %sub3A_168 : f32
        %mul3A_171 = arith.mulf %sub3A_169, %sub3A_169 : f32
        %lt3A_172 = arith.cmpf olt, %mul3A_170, %mul3A_171 : f32
        %jit3A_173 = arith.constant 0 : i32
        %jit3A_174 = arith.constant 1 : i32
        %select_n3A_175 = arith.select %lt3A_172, %jit3A_173, %jit3A_174 : i32
        %shift_left3A_176 = arith.constant 3 : i32
        %shift_left3A_177 = arith.shli %select_n3A_175, %shift_left3A_176 : i32
        %or3A_178 = arith.ori %or3A_145, %shift_left3A_177 : i32
        %mul3A_179 = arith.constant 5.000000e-01 : f32
        %mul3A_180 = arith.mulf %mul3A_179, %sub3A_168 : f32
        %add3A_181 = arith.addf %select_n3A_160, %mul3A_180 : f32
        %mul3A_182 = arith.constant 5.000000e-01 : f32
        %mul3A_183 = arith.mulf %mul3A_182, %sub3A_169 : f32
        %add3A_184 = arith.addf %select_n3A_161, %mul3A_183 : f32
        %sub3A_185 = arith.subf %squeeze3A_167, %select_n3A_162 : f32
        %mul3A_186 = arith.constant 5.000000e-01 : f32
        %mul3A_187 = arith.mulf %mul3A_186, %sub3A_185 : f32
        %add3A_188 = arith.addf %select_n3A_162, %mul3A_187 : f32
        %sub3A_189 = arith.subf %squeeze3A_167, %select_n3A_163 : f32
        %mul3A_190 = arith.constant 5.000000e-01 : f32
        %mul3A_191 = arith.mulf %mul3A_190, %sub3A_189 : f32
        %add3A_192 = arith.addf %select_n3A_163, %mul3A_191 : f32
        %select_n3A_193 = arith.select %lt3A_172, %add3A_181, %select_n3A_160 : f32
        %select_n3A_194 = arith.select %lt3A_172, %select_n3A_161, %add3A_184 : f32
        %select_n3A_195 = arith.select %lt3A_172, %add3A_188, %select_n3A_162 : f32
        %select_n3A_196 = arith.select %lt3A_172, %select_n3A_163, %add3A_192 : f32
        %slice3A_197 = vector.extract_strided_slice %get3A_63 {offsets = [4], sizes = [1], strides = [1]} : vector<16xf32> to vector<1xf32>
        %squeeze3A_198 = vector.extract %slice3A_197[0] : f32 from vector<1xf32>
        %slice3A_199 = vector.extract_strided_slice %get3A_68 {offsets = [4], sizes = [1], strides = [1]} : vector<16xf32> to vector<1xf32>
        %squeeze3A_200 = vector.extract %slice3A_199[0] : f32 from vector<1xf32>
        %sub3A_201 = arith.subf %squeeze3A_198, %select_n3A_193 : f32
        %sub3A_202 = arith.subf %squeeze3A_198, %select_n3A_194 : f32
        %mul3A_203 = arith.mulf %sub3A_201, %sub3A_201 : f32
        %mul3A_204 = arith.mulf %sub3A_202, %sub3A_202 : f32
        %lt3A_205 = arith.cmpf olt, %mul3A_203, %mul3A_204 : f32
        %jit3A_206 = arith.constant 0 : i32
        %jit3A_207 = arith.constant 1 : i32
        %select_n3A_208 = arith.select %lt3A_205, %jit3A_206, %jit3A_207 : i32
        %shift_left3A_209 = arith.constant 4 : i32
        %shift_left3A_210 = arith.shli %select_n3A_208, %shift_left3A_209 : i32
        %or3A_211 = arith.ori %or3A_178, %shift_left3A_210 : i32
        %mul3A_212 = arith.constant 5.000000e-01 : f32
        %mul3A_213 = arith.mulf %mul3A_212, %sub3A_201 : f32
        %add3A_214 = arith.addf %select_n3A_193, %mul3A_213 : f32
        %mul3A_215 = arith.constant 5.000000e-01 : f32
        %mul3A_216 = arith.mulf %mul3A_215, %sub3A_202 : f32
        %add3A_217 = arith.addf %select_n3A_194, %mul3A_216 : f32
        %sub3A_218 = arith.subf %squeeze3A_200, %select_n3A_195 : f32
        %mul3A_219 = arith.constant 5.000000e-01 : f32
        %mul3A_220 = arith.mulf %mul3A_219, %sub3A_218 : f32
        %add3A_221 = arith.addf %select_n3A_195, %mul3A_220 : f32
        %sub3A_222 = arith.subf %squeeze3A_200, %select_n3A_196 : f32
        %mul3A_223 = arith.constant 5.000000e-01 : f32
        %mul3A_224 = arith.mulf %mul3A_223, %sub3A_222 : f32
        %add3A_225 = arith.addf %select_n3A_196, %mul3A_224 : f32
        %select_n3A_226 = arith.select %lt3A_205, %add3A_214, %select_n3A_193 : f32
        %select_n3A_227 = arith.select %lt3A_205, %select_n3A_194, %add3A_217 : f32
        %select_n3A_228 = arith.select %lt3A_205, %add3A_221, %select_n3A_195 : f32
        %select_n3A_229 = arith.select %lt3A_205, %select_n3A_196, %add3A_225 : f32
        %slice3A_230 = vector.extract_strided_slice %get3A_63 {offsets = [5], sizes = [1], strides = [1]} : vector<16xf32> to vector<1xf32>
        %squeeze3A_231 = vector.extract %slice3A_230[0] : f32 from vector<1xf32>
        %slice3A_232 = vector.extract_strided_slice %get3A_68 {offsets = [5], sizes = [1], strides = [1]} : vector<16xf32> to vector<1xf32>
        %squeeze3A_233 = vector.extract %slice3A_232[0] : f32 from vector<1xf32>
        %sub3A_234 = arith.subf %squeeze3A_231, %select_n3A_226 : f32
        %sub3A_235 = arith.subf %squeeze3A_231, %select_n3A_227 : f32
        %mul3A_236 = arith.mulf %sub3A_234, %sub3A_234 : f32
        %mul3A_237 = arith.mulf %sub3A_235, %sub3A_235 : f32
        %lt3A_238 = arith.cmpf olt, %mul3A_236, %mul3A_237 : f32
        %jit3A_239 = arith.constant 0 : i32
        %jit3A_240 = arith.constant 1 : i32
        %select_n3A_241 = arith.select %lt3A_238, %jit3A_239, %jit3A_240 : i32
        %shift_left3A_242 = arith.constant 5 : i32
        %shift_left3A_243 = arith.shli %select_n3A_241, %shift_left3A_242 : i32
        %or3A_244 = arith.ori %or3A_211, %shift_left3A_243 : i32
        %mul3A_245 = arith.constant 5.000000e-01 : f32
        %mul3A_246 = arith.mulf %mul3A_245, %sub3A_234 : f32
        %add3A_247 = arith.addf %select_n3A_226, %mul3A_246 : f32
        %mul3A_248 = arith.constant 5.000000e-01 : f32
        %mul3A_249 = arith.mulf %mul3A_248, %sub3A_235 : f32
        %add3A_250 = arith.addf %select_n3A_227, %mul3A_249 : f32
        %sub3A_251 = arith.subf %squeeze3A_233, %select_n3A_228 : f32
        %mul3A_252 = arith.constant 5.000000e-01 : f32
        %mul3A_253 = arith.mulf %mul3A_252, %sub3A_251 : f32
        %add3A_254 = arith.addf %select_n3A_228, %mul3A_253 : f32
        %sub3A_255 = arith.subf %squeeze3A_233, %select_n3A_229 : f32
        %mul3A_256 = arith.constant 5.000000e-01 : f32
        %mul3A_257 = arith.mulf %mul3A_256, %sub3A_255 : f32
        %add3A_258 = arith.addf %select_n3A_229, %mul3A_257 : f32
        %select_n3A_259 = arith.select %lt3A_238, %add3A_247, %select_n3A_226 : f32
        %select_n3A_260 = arith.select %lt3A_238, %select_n3A_227, %add3A_250 : f32
        %select_n3A_261 = arith.select %lt3A_238, %add3A_254, %select_n3A_228 : f32
        %select_n3A_262 = arith.select %lt3A_238, %select_n3A_229, %add3A_258 : f32
        %slice3A_263 = vector.extract_strided_slice %get3A_63 {offsets = [6], sizes = [1], strides = [1]} : vector<16xf32> to vector<1xf32>
        %squeeze3A_264 = vector.extract %slice3A_263[0] : f32 from vector<1xf32>
        %slice3A_265 = vector.extract_strided_slice %get3A_68 {offsets = [6], sizes = [1], strides = [1]} : vector<16xf32> to vector<1xf32>
        %squeeze3A_266 = vector.extract %slice3A_265[0] : f32 from vector<1xf32>
        %sub3A_267 = arith.subf %squeeze3A_264, %select_n3A_259 : f32
        %sub3A_268 = arith.subf %squeeze3A_264, %select_n3A_260 : f32
        %mul3A_269 = arith.mulf %sub3A_267, %sub3A_267 : f32
        %mul3A_270 = arith.mulf %sub3A_268, %sub3A_268 : f32
        %lt3A_271 = arith.cmpf olt, %mul3A_269, %mul3A_270 : f32
        %jit3A_272 = arith.constant 0 : i32
        %jit3A_273 = arith.constant 1 : i32
        %select_n3A_274 = arith.select %lt3A_271, %jit3A_272, %jit3A_273 : i32
        %shift_left3A_275 = arith.constant 6 : i32
        %shift_left3A_276 = arith.shli %select_n3A_274, %shift_left3A_275 : i32
        %or3A_277 = arith.ori %or3A_244, %shift_left3A_276 : i32
        %mul3A_278 = arith.constant 5.000000e-01 : f32
        %mul3A_279 = arith.mulf %mul3A_278, %sub3A_267 : f32
        %add3A_280 = arith.addf %select_n3A_259, %mul3A_279 : f32
        %mul3A_281 = arith.constant 5.000000e-01 : f32
        %mul3A_282 = arith.mulf %mul3A_281, %sub3A_268 : f32
        %add3A_283 = arith.addf %select_n3A_260, %mul3A_282 : f32
        %sub3A_284 = arith.subf %squeeze3A_266, %select_n3A_261 : f32
        %mul3A_285 = arith.constant 5.000000e-01 : f32
        %mul3A_286 = arith.mulf %mul3A_285, %sub3A_284 : f32
        %add3A_287 = arith.addf %select_n3A_261, %mul3A_286 : f32
        %sub3A_288 = arith.subf %squeeze3A_266, %select_n3A_262 : f32
        %mul3A_289 = arith.constant 5.000000e-01 : f32
        %mul3A_290 = arith.mulf %mul3A_289, %sub3A_288 : f32
        %add3A_291 = arith.addf %select_n3A_262, %mul3A_290 : f32
        %select_n3A_292 = arith.select %lt3A_271, %add3A_280, %select_n3A_259 : f32
        %select_n3A_293 = arith.select %lt3A_271, %select_n3A_260, %add3A_283 : f32
        %select_n3A_294 = arith.select %lt3A_271, %add3A_287, %select_n3A_261 : f32
        %select_n3A_295 = arith.select %lt3A_271, %select_n3A_262, %add3A_291 : f32
        %slice3A_296 = vector.extract_strided_slice %get3A_63 {offsets = [7], sizes = [1], strides = [1]} : vector<16xf32> to vector<1xf32>
        %squeeze3A_297 = vector.extract %slice3A_296[0] : f32 from vector<1xf32>
        %slice3A_298 = vector.extract_strided_slice %get3A_68 {offsets = [7], sizes = [1], strides = [1]} : vector<16xf32> to vector<1xf32>
        %squeeze3A_299 = vector.extract %slice3A_298[0] : f32 from vector<1xf32>
        %sub3A_300 = arith.subf %squeeze3A_297, %select_n3A_292 : f32
        %sub3A_301 = arith.subf %squeeze3A_297, %select_n3A_293 : f32
        %mul3A_302 = arith.mulf %sub3A_300, %sub3A_300 : f32
        %mul3A_303 = arith.mulf %sub3A_301, %sub3A_301 : f32
        %lt3A_304 = arith.cmpf olt, %mul3A_302, %mul3A_303 : f32
        %jit3A_305 = arith.constant 0 : i32
        %jit3A_306 = arith.constant 1 : i32
        %select_n3A_307 = arith.select %lt3A_304, %jit3A_305, %jit3A_306 : i32
        %shift_left3A_308 = arith.constant 7 : i32
        %shift_left3A_309 = arith.shli %select_n3A_307, %shift_left3A_308 : i32
        %or3A_310 = arith.ori %or3A_277, %shift_left3A_309 : i32
        %mul3A_311 = arith.constant 5.000000e-01 : f32
        %mul3A_312 = arith.mulf %mul3A_311, %sub3A_300 : f32
        %add3A_313 = arith.addf %select_n3A_292, %mul3A_312 : f32
        %mul3A_314 = arith.constant 5.000000e-01 : f32
        %mul3A_315 = arith.mulf %mul3A_314, %sub3A_301 : f32
        %add3A_316 = arith.addf %select_n3A_293, %mul3A_315 : f32
        %sub3A_317 = arith.subf %squeeze3A_299, %select_n3A_294 : f32
        %mul3A_318 = arith.constant 5.000000e-01 : f32
        %mul3A_319 = arith.mulf %mul3A_318, %sub3A_317 : f32
        %add3A_320 = arith.addf %select_n3A_294, %mul3A_319 : f32
        %sub3A_321 = arith.subf %squeeze3A_299, %select_n3A_295 : f32
        %mul3A_322 = arith.constant 5.000000e-01 : f32
        %mul3A_323 = arith.mulf %mul3A_322, %sub3A_321 : f32
        %add3A_324 = arith.addf %select_n3A_295, %mul3A_323 : f32
        %select_n3A_325 = arith.select %lt3A_304, %add3A_313, %select_n3A_292 : f32
        %select_n3A_326 = arith.select %lt3A_304, %select_n3A_293, %add3A_316 : f32
        %select_n3A_327 = arith.select %lt3A_304, %add3A_320, %select_n3A_294 : f32
        %select_n3A_328 = arith.select %lt3A_304, %select_n3A_295, %add3A_324 : f32
        %slice3A_329 = vector.extract_strided_slice %get3A_63 {offsets = [8], sizes = [1], strides = [1]} : vector<16xf32> to vector<1xf32>
        %squeeze3A_330 = vector.extract %slice3A_329[0] : f32 from vector<1xf32>
        %slice3A_331 = vector.extract_strided_slice %get3A_68 {offsets = [8], sizes = [1], strides = [1]} : vector<16xf32> to vector<1xf32>
        %squeeze3A_332 = vector.extract %slice3A_331[0] : f32 from vector<1xf32>
        %sub3A_333 = arith.subf %squeeze3A_330, %select_n3A_325 : f32
        %sub3A_334 = arith.subf %squeeze3A_330, %select_n3A_326 : f32
        %mul3A_335 = arith.mulf %sub3A_333, %sub3A_333 : f32
        %mul3A_336 = arith.mulf %sub3A_334, %sub3A_334 : f32
        %lt3A_337 = arith.cmpf olt, %mul3A_335, %mul3A_336 : f32
        %jit3A_338 = arith.constant 0 : i32
        %jit3A_339 = arith.constant 1 : i32
        %select_n3A_340 = arith.select %lt3A_337, %jit3A_338, %jit3A_339 : i32
        %shift_left3A_341 = arith.constant 8 : i32
        %shift_left3A_342 = arith.shli %select_n3A_340, %shift_left3A_341 : i32
        %or3A_343 = arith.ori %or3A_310, %shift_left3A_342 : i32
        %mul3A_344 = arith.constant 5.000000e-01 : f32
        %mul3A_345 = arith.mulf %mul3A_344, %sub3A_333 : f32
        %add3A_346 = arith.addf %select_n3A_325, %mul3A_345 : f32
        %mul3A_347 = arith.constant 5.000000e-01 : f32
        %mul3A_348 = arith.mulf %mul3A_347, %sub3A_334 : f32
        %add3A_349 = arith.addf %select_n3A_326, %mul3A_348 : f32
        %sub3A_350 = arith.subf %squeeze3A_332, %select_n3A_327 : f32
        %mul3A_351 = arith.constant 5.000000e-01 : f32
        %mul3A_352 = arith.mulf %mul3A_351, %sub3A_350 : f32
        %add3A_353 = arith.addf %select_n3A_327, %mul3A_352 : f32
        %sub3A_354 = arith.subf %squeeze3A_332, %select_n3A_328 : f32
        %mul3A_355 = arith.constant 5.000000e-01 : f32
        %mul3A_356 = arith.mulf %mul3A_355, %sub3A_354 : f32
        %add3A_357 = arith.addf %select_n3A_328, %mul3A_356 : f32
        %select_n3A_358 = arith.select %lt3A_337, %add3A_346, %select_n3A_325 : f32
        %select_n3A_359 = arith.select %lt3A_337, %select_n3A_326, %add3A_349 : f32
        %select_n3A_360 = arith.select %lt3A_337, %add3A_353, %select_n3A_327 : f32
        %select_n3A_361 = arith.select %lt3A_337, %select_n3A_328, %add3A_357 : f32
        %slice3A_362 = vector.extract_strided_slice %get3A_63 {offsets = [9], sizes = [1], strides = [1]} : vector<16xf32> to vector<1xf32>
        %squeeze3A_363 = vector.extract %slice3A_362[0] : f32 from vector<1xf32>
        %slice3A_364 = vector.extract_strided_slice %get3A_68 {offsets = [9], sizes = [1], strides = [1]} : vector<16xf32> to vector<1xf32>
        %squeeze3A_365 = vector.extract %slice3A_364[0] : f32 from vector<1xf32>
        %sub3A_366 = arith.subf %squeeze3A_363, %select_n3A_358 : f32
        %sub3A_367 = arith.subf %squeeze3A_363, %select_n3A_359 : f32
        %mul3A_368 = arith.mulf %sub3A_366, %sub3A_366 : f32
        %mul3A_369 = arith.mulf %sub3A_367, %sub3A_367 : f32
        %lt3A_370 = arith.cmpf olt, %mul3A_368, %mul3A_369 : f32
        %jit3A_371 = arith.constant 0 : i32
        %jit3A_372 = arith.constant 1 : i32
        %select_n3A_373 = arith.select %lt3A_370, %jit3A_371, %jit3A_372 : i32
        %shift_left3A_374 = arith.constant 9 : i32
        %shift_left3A_375 = arith.shli %select_n3A_373, %shift_left3A_374 : i32
        %or3A_376 = arith.ori %or3A_343, %shift_left3A_375 : i32
        %mul3A_377 = arith.constant 5.000000e-01 : f32
        %mul3A_378 = arith.mulf %mul3A_377, %sub3A_366 : f32
        %add3A_379 = arith.addf %select_n3A_358, %mul3A_378 : f32
        %mul3A_380 = arith.constant 5.000000e-01 : f32
        %mul3A_381 = arith.mulf %mul3A_380, %sub3A_367 : f32
        %add3A_382 = arith.addf %select_n3A_359, %mul3A_381 : f32
        %sub3A_383 = arith.subf %squeeze3A_365, %select_n3A_360 : f32
        %mul3A_384 = arith.constant 5.000000e-01 : f32
        %mul3A_385 = arith.mulf %mul3A_384, %sub3A_383 : f32
        %add3A_386 = arith.addf %select_n3A_360, %mul3A_385 : f32
        %sub3A_387 = arith.subf %squeeze3A_365, %select_n3A_361 : f32
        %mul3A_388 = arith.constant 5.000000e-01 : f32
        %mul3A_389 = arith.mulf %mul3A_388, %sub3A_387 : f32
        %add3A_390 = arith.addf %select_n3A_361, %mul3A_389 : f32
        %select_n3A_391 = arith.select %lt3A_370, %add3A_379, %select_n3A_358 : f32
        %select_n3A_392 = arith.select %lt3A_370, %select_n3A_359, %add3A_382 : f32
        %select_n3A_393 = arith.select %lt3A_370, %add3A_386, %select_n3A_360 : f32
        %select_n3A_394 = arith.select %lt3A_370, %select_n3A_361, %add3A_390 : f32
        %slice3A_395 = vector.extract_strided_slice %get3A_63 {offsets = [10], sizes = [1], strides = [1]} : vector<16xf32> to vector<1xf32>
        %squeeze3A_396 = vector.extract %slice3A_395[0] : f32 from vector<1xf32>
        %slice3A_397 = vector.extract_strided_slice %get3A_68 {offsets = [10], sizes = [1], strides = [1]} : vector<16xf32> to vector<1xf32>
        %squeeze3A_398 = vector.extract %slice3A_397[0] : f32 from vector<1xf32>
        %sub3A_399 = arith.subf %squeeze3A_396, %select_n3A_391 : f32
        %sub3A_400 = arith.subf %squeeze3A_396, %select_n3A_392 : f32
        %mul3A_401 = arith.mulf %sub3A_399, %sub3A_399 : f32
        %mul3A_402 = arith.mulf %sub3A_400, %sub3A_400 : f32
        %lt3A_403 = arith.cmpf olt, %mul3A_401, %mul3A_402 : f32
        %jit3A_404 = arith.constant 0 : i32
        %jit3A_405 = arith.constant 1 : i32
        %select_n3A_406 = arith.select %lt3A_403, %jit3A_404, %jit3A_405 : i32
        %shift_left3A_407 = arith.constant 10 : i32
        %shift_left3A_408 = arith.shli %select_n3A_406, %shift_left3A_407 : i32
        %or3A_409 = arith.ori %or3A_376, %shift_left3A_408 : i32
        %mul3A_410 = arith.constant 5.000000e-01 : f32
        %mul3A_411 = arith.mulf %mul3A_410, %sub3A_399 : f32
        %add3A_412 = arith.addf %select_n3A_391, %mul3A_411 : f32
        %mul3A_413 = arith.constant 5.000000e-01 : f32
        %mul3A_414 = arith.mulf %mul3A_413, %sub3A_400 : f32
        %add3A_415 = arith.addf %select_n3A_392, %mul3A_414 : f32
        %sub3A_416 = arith.subf %squeeze3A_398, %select_n3A_393 : f32
        %mul3A_417 = arith.constant 5.000000e-01 : f32
        %mul3A_418 = arith.mulf %mul3A_417, %sub3A_416 : f32
        %add3A_419 = arith.addf %select_n3A_393, %mul3A_418 : f32
        %sub3A_420 = arith.subf %squeeze3A_398, %select_n3A_394 : f32
        %mul3A_421 = arith.constant 5.000000e-01 : f32
        %mul3A_422 = arith.mulf %mul3A_421, %sub3A_420 : f32
        %add3A_423 = arith.addf %select_n3A_394, %mul3A_422 : f32
        %select_n3A_424 = arith.select %lt3A_403, %add3A_412, %select_n3A_391 : f32
        %select_n3A_425 = arith.select %lt3A_403, %select_n3A_392, %add3A_415 : f32
        %select_n3A_426 = arith.select %lt3A_403, %add3A_419, %select_n3A_393 : f32
        %select_n3A_427 = arith.select %lt3A_403, %select_n3A_394, %add3A_423 : f32
        %slice3A_428 = vector.extract_strided_slice %get3A_63 {offsets = [11], sizes = [1], strides = [1]} : vector<16xf32> to vector<1xf32>
        %squeeze3A_429 = vector.extract %slice3A_428[0] : f32 from vector<1xf32>
        %slice3A_430 = vector.extract_strided_slice %get3A_68 {offsets = [11], sizes = [1], strides = [1]} : vector<16xf32> to vector<1xf32>
        %squeeze3A_431 = vector.extract %slice3A_430[0] : f32 from vector<1xf32>
        %sub3A_432 = arith.subf %squeeze3A_429, %select_n3A_424 : f32
        %sub3A_433 = arith.subf %squeeze3A_429, %select_n3A_425 : f32
        %mul3A_434 = arith.mulf %sub3A_432, %sub3A_432 : f32
        %mul3A_435 = arith.mulf %sub3A_433, %sub3A_433 : f32
        %lt3A_436 = arith.cmpf olt, %mul3A_434, %mul3A_435 : f32
        %jit3A_437 = arith.constant 0 : i32
        %jit3A_438 = arith.constant 1 : i32
        %select_n3A_439 = arith.select %lt3A_436, %jit3A_437, %jit3A_438 : i32
        %shift_left3A_440 = arith.constant 11 : i32
        %shift_left3A_441 = arith.shli %select_n3A_439, %shift_left3A_440 : i32
        %or3A_442 = arith.ori %or3A_409, %shift_left3A_441 : i32
        %mul3A_443 = arith.constant 5.000000e-01 : f32
        %mul3A_444 = arith.mulf %mul3A_443, %sub3A_432 : f32
        %add3A_445 = arith.addf %select_n3A_424, %mul3A_444 : f32
        %mul3A_446 = arith.constant 5.000000e-01 : f32
        %mul3A_447 = arith.mulf %mul3A_446, %sub3A_433 : f32
        %add3A_448 = arith.addf %select_n3A_425, %mul3A_447 : f32
        %sub3A_449 = arith.subf %squeeze3A_431, %select_n3A_426 : f32
        %mul3A_450 = arith.constant 5.000000e-01 : f32
        %mul3A_451 = arith.mulf %mul3A_450, %sub3A_449 : f32
        %add3A_452 = arith.addf %select_n3A_426, %mul3A_451 : f32
        %sub3A_453 = arith.subf %squeeze3A_431, %select_n3A_427 : f32
        %mul3A_454 = arith.constant 5.000000e-01 : f32
        %mul3A_455 = arith.mulf %mul3A_454, %sub3A_453 : f32
        %add3A_456 = arith.addf %select_n3A_427, %mul3A_455 : f32
        %select_n3A_457 = arith.select %lt3A_436, %add3A_445, %select_n3A_424 : f32
        %select_n3A_458 = arith.select %lt3A_436, %select_n3A_425, %add3A_448 : f32
        %select_n3A_459 = arith.select %lt3A_436, %add3A_452, %select_n3A_426 : f32
        %select_n3A_460 = arith.select %lt3A_436, %select_n3A_427, %add3A_456 : f32
        %slice3A_461 = vector.extract_strided_slice %get3A_63 {offsets = [12], sizes = [1], strides = [1]} : vector<16xf32> to vector<1xf32>
        %squeeze3A_462 = vector.extract %slice3A_461[0] : f32 from vector<1xf32>
        %slice3A_463 = vector.extract_strided_slice %get3A_68 {offsets = [12], sizes = [1], strides = [1]} : vector<16xf32> to vector<1xf32>
        %squeeze3A_464 = vector.extract %slice3A_463[0] : f32 from vector<1xf32>
        %sub3A_465 = arith.subf %squeeze3A_462, %select_n3A_457 : f32
        %sub3A_466 = arith.subf %squeeze3A_462, %select_n3A_458 : f32
        %mul3A_467 = arith.mulf %sub3A_465, %sub3A_465 : f32
        %mul3A_468 = arith.mulf %sub3A_466, %sub3A_466 : f32
        %lt3A_469 = arith.cmpf olt, %mul3A_467, %mul3A_468 : f32
        %jit3A_470 = arith.constant 0 : i32
        %jit3A_471 = arith.constant 1 : i32
        %select_n3A_472 = arith.select %lt3A_469, %jit3A_470, %jit3A_471 : i32
        %shift_left3A_473 = arith.constant 12 : i32
        %shift_left3A_474 = arith.shli %select_n3A_472, %shift_left3A_473 : i32
        %or3A_475 = arith.ori %or3A_442, %shift_left3A_474 : i32
        %mul3A_476 = arith.constant 5.000000e-01 : f32
        %mul3A_477 = arith.mulf %mul3A_476, %sub3A_465 : f32
        %add3A_478 = arith.addf %select_n3A_457, %mul3A_477 : f32
        %mul3A_479 = arith.constant 5.000000e-01 : f32
        %mul3A_480 = arith.mulf %mul3A_479, %sub3A_466 : f32
        %add3A_481 = arith.addf %select_n3A_458, %mul3A_480 : f32
        %sub3A_482 = arith.subf %squeeze3A_464, %select_n3A_459 : f32
        %mul3A_483 = arith.constant 5.000000e-01 : f32
        %mul3A_484 = arith.mulf %mul3A_483, %sub3A_482 : f32
        %add3A_485 = arith.addf %select_n3A_459, %mul3A_484 : f32
        %sub3A_486 = arith.subf %squeeze3A_464, %select_n3A_460 : f32
        %mul3A_487 = arith.constant 5.000000e-01 : f32
        %mul3A_488 = arith.mulf %mul3A_487, %sub3A_486 : f32
        %add3A_489 = arith.addf %select_n3A_460, %mul3A_488 : f32
        %select_n3A_490 = arith.select %lt3A_469, %add3A_478, %select_n3A_457 : f32
        %select_n3A_491 = arith.select %lt3A_469, %select_n3A_458, %add3A_481 : f32
        %select_n3A_492 = arith.select %lt3A_469, %add3A_485, %select_n3A_459 : f32
        %select_n3A_493 = arith.select %lt3A_469, %select_n3A_460, %add3A_489 : f32
        %slice3A_494 = vector.extract_strided_slice %get3A_63 {offsets = [13], sizes = [1], strides = [1]} : vector<16xf32> to vector<1xf32>
        %squeeze3A_495 = vector.extract %slice3A_494[0] : f32 from vector<1xf32>
        %slice3A_496 = vector.extract_strided_slice %get3A_68 {offsets = [13], sizes = [1], strides = [1]} : vector<16xf32> to vector<1xf32>
        %squeeze3A_497 = vector.extract %slice3A_496[0] : f32 from vector<1xf32>
        %sub3A_498 = arith.subf %squeeze3A_495, %select_n3A_490 : f32
        %sub3A_499 = arith.subf %squeeze3A_495, %select_n3A_491 : f32
        %mul3A_500 = arith.mulf %sub3A_498, %sub3A_498 : f32
        %mul3A_501 = arith.mulf %sub3A_499, %sub3A_499 : f32
        %lt3A_502 = arith.cmpf olt, %mul3A_500, %mul3A_501 : f32
        %jit3A_503 = arith.constant 0 : i32
        %jit3A_504 = arith.constant 1 : i32
        %select_n3A_505 = arith.select %lt3A_502, %jit3A_503, %jit3A_504 : i32
        %shift_left3A_506 = arith.constant 13 : i32
        %shift_left3A_507 = arith.shli %select_n3A_505, %shift_left3A_506 : i32
        %or3A_508 = arith.ori %or3A_475, %shift_left3A_507 : i32
        %mul3A_509 = arith.constant 5.000000e-01 : f32
        %mul3A_510 = arith.mulf %mul3A_509, %sub3A_498 : f32
        %add3A_511 = arith.addf %select_n3A_490, %mul3A_510 : f32
        %mul3A_512 = arith.constant 5.000000e-01 : f32
        %mul3A_513 = arith.mulf %mul3A_512, %sub3A_499 : f32
        %add3A_514 = arith.addf %select_n3A_491, %mul3A_513 : f32
        %sub3A_515 = arith.subf %squeeze3A_497, %select_n3A_492 : f32
        %mul3A_516 = arith.constant 5.000000e-01 : f32
        %mul3A_517 = arith.mulf %mul3A_516, %sub3A_515 : f32
        %add3A_518 = arith.addf %select_n3A_492, %mul3A_517 : f32
        %sub3A_519 = arith.subf %squeeze3A_497, %select_n3A_493 : f32
        %mul3A_520 = arith.constant 5.000000e-01 : f32
        %mul3A_521 = arith.mulf %mul3A_520, %sub3A_519 : f32
        %add3A_522 = arith.addf %select_n3A_493, %mul3A_521 : f32
        %select_n3A_523 = arith.select %lt3A_502, %add3A_511, %select_n3A_490 : f32
        %select_n3A_524 = arith.select %lt3A_502, %select_n3A_491, %add3A_514 : f32
        %select_n3A_525 = arith.select %lt3A_502, %add3A_518, %select_n3A_492 : f32
        %select_n3A_526 = arith.select %lt3A_502, %select_n3A_493, %add3A_522 : f32
        %slice3A_527 = vector.extract_strided_slice %get3A_63 {offsets = [14], sizes = [1], strides = [1]} : vector<16xf32> to vector<1xf32>
        %squeeze3A_528 = vector.extract %slice3A_527[0] : f32 from vector<1xf32>
        %slice3A_529 = vector.extract_strided_slice %get3A_68 {offsets = [14], sizes = [1], strides = [1]} : vector<16xf32> to vector<1xf32>
        %squeeze3A_530 = vector.extract %slice3A_529[0] : f32 from vector<1xf32>
        %sub3A_531 = arith.subf %squeeze3A_528, %select_n3A_523 : f32
        %sub3A_532 = arith.subf %squeeze3A_528, %select_n3A_524 : f32
        %mul3A_533 = arith.mulf %sub3A_531, %sub3A_531 : f32
        %mul3A_534 = arith.mulf %sub3A_532, %sub3A_532 : f32
        %lt3A_535 = arith.cmpf olt, %mul3A_533, %mul3A_534 : f32
        %jit3A_536 = arith.constant 0 : i32
        %jit3A_537 = arith.constant 1 : i32
        %select_n3A_538 = arith.select %lt3A_535, %jit3A_536, %jit3A_537 : i32
        %shift_left3A_539 = arith.constant 14 : i32
        %shift_left3A_540 = arith.shli %select_n3A_538, %shift_left3A_539 : i32
        %or3A_541 = arith.ori %or3A_508, %shift_left3A_540 : i32
        %mul3A_542 = arith.constant 5.000000e-01 : f32
        %mul3A_543 = arith.mulf %mul3A_542, %sub3A_531 : f32
        %add3A_544 = arith.addf %select_n3A_523, %mul3A_543 : f32
        %mul3A_545 = arith.constant 5.000000e-01 : f32
        %mul3A_546 = arith.mulf %mul3A_545, %sub3A_532 : f32
        %add3A_547 = arith.addf %select_n3A_524, %mul3A_546 : f32
        %sub3A_548 = arith.subf %squeeze3A_530, %select_n3A_525 : f32
        %mul3A_549 = arith.constant 5.000000e-01 : f32
        %mul3A_550 = arith.mulf %mul3A_549, %sub3A_548 : f32
        %add3A_551 = arith.addf %select_n3A_525, %mul3A_550 : f32
        %sub3A_552 = arith.subf %squeeze3A_530, %select_n3A_526 : f32
        %mul3A_553 = arith.constant 5.000000e-01 : f32
        %mul3A_554 = arith.mulf %mul3A_553, %sub3A_552 : f32
        %add3A_555 = arith.addf %select_n3A_526, %mul3A_554 : f32
        %select_n3A_556 = arith.select %lt3A_535, %add3A_544, %select_n3A_523 : f32
        %select_n3A_557 = arith.select %lt3A_535, %select_n3A_524, %add3A_547 : f32
        %select_n3A_558 = arith.select %lt3A_535, %add3A_551, %select_n3A_525 : f32
        %select_n3A_559 = arith.select %lt3A_535, %select_n3A_526, %add3A_555 : f32
        %slice3A_560 = vector.extract_strided_slice %get3A_63 {offsets = [15], sizes = [1], strides = [1]} : vector<16xf32> to vector<1xf32>
        %squeeze3A_561 = vector.extract %slice3A_560[0] : f32 from vector<1xf32>
        %slice3A_562 = vector.extract_strided_slice %get3A_68 {offsets = [15], sizes = [1], strides = [1]} : vector<16xf32> to vector<1xf32>
        %squeeze3A_563 = vector.extract %slice3A_562[0] : f32 from vector<1xf32>
        %sub3A_564 = arith.subf %squeeze3A_561, %select_n3A_556 : f32
        %sub3A_565 = arith.subf %squeeze3A_561, %select_n3A_557 : f32
        %mul3A_566 = arith.mulf %sub3A_564, %sub3A_564 : f32
        %mul3A_567 = arith.mulf %sub3A_565, %sub3A_565 : f32
        %lt3A_568 = arith.cmpf olt, %mul3A_566, %mul3A_567 : f32
        %jit3A_569 = arith.constant 0 : i32
        %jit3A_570 = arith.constant 1 : i32
        %select_n3A_571 = arith.select %lt3A_568, %jit3A_569, %jit3A_570 : i32
        %shift_left3A_572 = arith.constant 15 : i32
        %shift_left3A_573 = arith.shli %select_n3A_571, %shift_left3A_572 : i32
        %or3A_574 = arith.ori %or3A_541, %shift_left3A_573 : i32
        %mul3A_575 = arith.constant 5.000000e-01 : f32
        %mul3A_576 = arith.mulf %mul3A_575, %sub3A_564 : f32
        %add3A_577 = arith.addf %select_n3A_556, %mul3A_576 : f32
        %mul3A_578 = arith.constant 5.000000e-01 : f32
        %mul3A_579 = arith.mulf %mul3A_578, %sub3A_565 : f32
        %add3A_580 = arith.addf %select_n3A_557, %mul3A_579 : f32
        %sub3A_581 = arith.subf %squeeze3A_563, %select_n3A_558 : f32
        %mul3A_582 = arith.constant 5.000000e-01 : f32
        %mul3A_583 = arith.mulf %mul3A_582, %sub3A_581 : f32
        %add3A_584 = arith.addf %select_n3A_558, %mul3A_583 : f32
        %sub3A_585 = arith.subf %squeeze3A_563, %select_n3A_559 : f32
        %mul3A_586 = arith.constant 5.000000e-01 : f32
        %mul3A_587 = arith.mulf %mul3A_586, %sub3A_585 : f32
        %add3A_588 = arith.addf %select_n3A_559, %mul3A_587 : f32
        %select_n3A_589 = arith.select %lt3A_568, %add3A_577, %select_n3A_556 : f32
        %select_n3A_590 = arith.select %lt3A_568, %select_n3A_557, %add3A_580 : f32
        %select_n3A_591 = arith.select %lt3A_568, %add3A_584, %select_n3A_558 : f32
        %select_n3A_592 = arith.select %lt3A_568, %select_n3A_559, %add3A_588 : f32
        %broadcast_in_dim3A_593 = vector.broadcast %or3A_574 : i32 to vector<16xi32>
        %shift_right_arithmetic3A = arith.shrsi %broadcast_in_dim3A_593, %iota3A : vector<16xi32>
        %and3A = arith.constant 1 : i32
        %and3A_594 = vector.broadcast %and3A : i32 to vector<16xi32>
        %and3A_595 = arith.andi %shift_right_arithmetic3A, %and3A_594 : vector<16xi32>
        %swap3A_596 = arith.index_cast %mul3A_58 : i32 to index
        %swap3A_597 = tpu.vector_load %arg8[%swap3A_596] {strides = array<i32>} : memref<4096xi32, #tpu.memory_space<vmem>>, vector<16xi32>,
        %swap3A_598 = vector.shape_cast %swap3A_597 : vector<16xi32> to vector<16xi32>
        %swap3A_599 = vector.shape_cast %and3A_595 : vector<16xi32> to vector<16xi32>
        tpu.vector_store %arg8[%swap3A_596], %swap3A_599 {strides = array<i32>} : memref<4096xi32, #tpu.memory_space<vmem>>, vector<16xi32>,
        scf.yield %select_n3A_589, %select_n3A_590, %select_n3A_591, %select_n3A_592 : f32, f32, f32, f32
      }
      %scan3A_22 = arith.constant 256 : i32
      %eq3A_23 = arith.constant 0 : i32
      %eq3A_24 = vector.broadcast %eq3A_23 : i32 to vector<16xi32>
      %eq3A_25 = arith.cmpi eq, %iota3A, %eq3A_24 : vector<16xi32>
      %eq3A_26 = arith.constant 1 : i32
      %eq3A_27 = vector.broadcast %eq3A_26 : i32 to vector<16xi32>
      %eq3A_28 = arith.cmpi eq, %iota3A, %eq3A_27 : vector<16xi32>
      %broadcast_in_dim3A = vector.broadcast %scan3A_21#2 : f32 to vector<16xf32>
      %select_n3A = arith.select %eq3A_28, %broadcast_in_dim3A, %get3A_6 : vector<16xi1>, vector<16xf32>
      %broadcast_in_dim3A_29 = vector.broadcast %scan3A_21#0 : f32 to vector<16xf32>
      %select_n3A_30 = arith.select %eq3A_25, %broadcast_in_dim3A_29, %select_n3A : vector<16xi1>, vector<16xf32>
      %eq3A_31 = arith.constant 0 : i32
      %eq3A_32 = vector.broadcast %eq3A_31 : i32 to vector<16xi32>
      %eq3A_33 = arith.cmpi eq, %iota3A, %eq3A_32 : vector<16xi32>
      %eq3A_34 = arith.constant 1 : i32
      %eq3A_35 = vector.broadcast %eq3A_34 : i32 to vector<16xi32>
      %eq3A_36 = arith.cmpi eq, %iota3A, %eq3A_35 : vector<16xi32>
      %broadcast_in_dim3A_37 = vector.broadcast %scan3A_21#3 : f32 to vector<16xf32>
      %select_n3A_38 = arith.select %eq3A_36, %broadcast_in_dim3A_37, %get3A_11 : vector<16xi1>, vector<16xf32>
      %broadcast_in_dim3A_39 = vector.broadcast %scan3A_21#1 : f32 to vector<16xf32>
      %select_n3A_40 = arith.select %eq3A_33, %broadcast_in_dim3A_39, %select_n3A_38 : vector<16xi1>, vector<16xf32>
      %swap3A = arith.constant 0 : i32
      %swap3A_41 = arith.index_cast %swap3A : i32 to index
      %swap3A_42 = arith.constant 0 : index
      %swap3A_43 = tpu.vector_load %arg7[%swap3A_41, %swap3A_42] {strides = array<i32>} : memref<2x1024xf32, #tpu.memory_space<vmem>>, vector<1x16xf32>,
      %swap3A_44 = vector.shape_cast %swap3A_43 : vector<1x16xf32> to vector<16xf32>
      %swap3A_45 = vector.shape_cast %select_n3A_30 : vector<16xf32> to vector<1x16xf32>
      tpu.vector_store %arg7[%swap3A_41, %swap3A_42], %swap3A_45 {strides = array<i32>} : memref<2x1024xf32, #tpu.memory_space<vmem>>, vector<1x16xf32>,
      %swap3A_46 = arith.constant 1 : i32
      %swap3A_47 = arith.index_cast %swap3A_46 : i32 to index
      %swap3A_48 = arith.constant 0 : index
      %swap3A_49 = tpu.vector_load %arg7[%swap3A_47, %swap3A_48] {strides = array<i32>} : memref<2x1024xf32, #tpu.memory_space<vmem>>, vector<1x16xf32>,
      %swap3A_50 = vector.shape_cast %swap3A_49 : vector<1x16xf32> to vector<16xf32>
      %swap3A_51 = vector.shape_cast %select_n3A_40 : vector<16xf32> to vector<1x16xf32>
      tpu.vector_store %arg7[%swap3A_47, %swap3A_48], %swap3A_51 {strides = array<i32>} : memref<2x1024xf32, #tpu.memory_space<vmem>>, vector<1x16xf32>,
      "tpu.region"() ({
        %run_scoped3A = tpu.sem_alloc : memref<!tpu.dma_semaphore, #tpu.memory_space<semaphore_mem>>
        tpu.enqueue_dma source(%arg7 : memref<2x1024xf32, #tpu.memory_space<vmem>>) target(%arg4 : memref<2x1024xf32, #tpu.memory_space<hbm>>) target_semaphore(%run_scoped3A : memref<!tpu.dma_semaphore, #tpu.memory_space<semaphore_mem>>)
        tpu.wait_dma2 semaphore(%run_scoped3A : memref<!tpu.dma_semaphore, #tpu.memory_space<semaphore_mem>>) src(%arg7 : memref<2x1024xf32, #tpu.memory_space<vmem>>) dst(%arg4 : memref<2x1024xf32, #tpu.memory_space<hbm>>)
        tpu.yield
      }) : () -> ()
      "tpu.region"() ({
        %run_scoped3A = tpu.sem_alloc : memref<!tpu.dma_semaphore, #tpu.memory_space<semaphore_mem>>
        tpu.enqueue_dma source(%arg8 : memref<4096xi32, #tpu.memory_space<vmem>>) target(%arg5 : memref<4096xi32, #tpu.memory_space<hbm>>) target_semaphore(%run_scoped3A : memref<!tpu.dma_semaphore, #tpu.memory_space<semaphore_mem>>)
        tpu.wait_dma2 semaphore(%run_scoped3A : memref<!tpu.dma_semaphore, #tpu.memory_space<semaphore_mem>>) src(%arg8 : memref<4096xi32, #tpu.memory_space<vmem>>) dst(%arg5 : memref<4096xi32, #tpu.memory_space<hbm>>)
        tpu.yield
      }) : () -> ()
    } else {
    }
    return
  }
}

</mosaic_0001>

<sc_bundles>
// kernel: kernel.3.cloned.1.call-start
scs
__scs_entry_jumppad:
0x0: {  	(pc) =	sbr.rel $0x88, $3  }
0x1: {  	(tag) =	ssettag $0x0;
	lr =	simm.s32 $0x1  }
0x2: {  	[smem:$0x3F9F] =	sst lr;
	_ =	strace $0xD0000000  }
0x3: {  	_ = 	snop  }
0x4: {  	_ = 	snop  }
0x5: {  	_ = 	snop  }
0x6: {  	_ = 	snop  }
0x7: {  	_ = 	snop  }
__scs_overlays_trampoline_lowered:
0x8: {  	[smem:$0x3FAE] =	sst s0  }
0x9: {  	[smem:$0x3FAF] =	sst s1  }
0xa: {  	[smem:$0x3FB0] =	sst s2  }
0xb: {  	[smem:$0x3FB1] =	sst s3  }
0xc: {  	[smem:$0x3FB2] =	sst s4  }
0xd: {  	[smem:$0x3FB3] =	sst s5  }
0xe: {  	[smem:$0x3FB4] =	sst s6  }
0xf: {  	[smem:$0x3FB5] =	sst s7  }
0x10: {  	[smem:$0x3FB6] =	sst s8  }
0x11: {  	[smem:$0x3FB7] =	sst s9;
	s0 =	simm.s32 @!p0 $0x0  }
0x12: {  	s1 =	sld [smem:$0x3F9D];
	s0 =	simm.s32 @p0 $0x1  }
0x13: {  	[smem:$0x3FB8] =	sst s0;
	s0 =	simm.s32 @!p1 $0x0  }
0x14: {  	s2 =	sld [smem:$0x3F9C];
	s0 =	simm.s32 @p1 $0x1  }
0x15: {  	[smem:$0x3FB9] =	sst s0;
	s0 =	simm.s32 @!p2 $0x0  }
0x16: {  	s3 =	sld [smem:$0x3FDB];
	s0 =	simm.s32 @p2 $0x1  }
0x17: {  	s4 =	simm.s32 $0x1BF5;
	[smem:$0x3FBB] =	sst s0  }
0x18: {  	s0 =	sld [smem:$0x3F9E];
	_ =	swait.ge [sflag:s4], $0x0  }
0x19: {  	s7 =	sld [smem:$0x3F9F]  }
0x1a: {  	s8 =	sadd.s32 $0xFFFFE003, lr  }
0x1b: {  	s9 =	sadd.s32 $0xFFFFFEF7, lr;
	s5 =	simm.s32 $0xFFFFFFFF;
	p2 =	slt.u32 s8, $0xFFFFF086  }
0x1c: {  	p1 =	slt.u32 s9, $0xF7A;
	s5 =	simm.s32 @!p2 $0x0  }
0x1d: {  	s5 =	simm.s32 @p1 $0x1;
	p0 =	seq.s32 s7, s2  }
0x1e: {  	s7 =	smul.u32 @!p0 $0xF7A, s2;
	p2 =	seq.s32 @!p0 s5, $0x0  }
0x1f: {  	s9 =	smul.u32 $0xF7A, s1;
	s8 =	simm.s32 @!p0 $0x1BF5;
	p2 =	por !p2, p0  }
0x20: {  	[sflag:s8] =	ssyncset.s32 @!p0 $0xFFFFF086;
	s6 =	sadd.s32 @!p0 s3, s7;
	s7 =	simm.s32 @!p0 $0x108  }
0x21: {  	s3 =	sadd.s32 s3, s9;
	s6 =	sadd.s32 @!p0 $0x88, s6;
	s7 =	simm.s32 @p2 $0x1082  }
0x22: {  	[simem:s7], [sflag:s8] =	dma.local @!p0 [hbm:s6], $0xF7A  }
0x23: {  	s9 =	sor.u32 $0xD0000000, s2;
	s6 =	simm.s32 $0x108;
	_ =	swait.ge @!p0 [sflag:s8], $0x0  }
0x24: {  	s3 =	sadd.s32 $0x88, s3;
	s6 =	simm.s32 @!p1 $0x1082;
	[sflag:s4] =	ssyncset.s32 $0xFFFFF086  }
0x25: {  	[simem:s6], [sflag:s4] =	dma.local [hbm:s3], $0xF7A  }
0x26: {  	[smem:$0x3F9F] =	sst s1;
	(tag) =	ssettag s2;
	_ =	strace s9  }
0x27: {  	s1 =	sld [smem:$0x3FAF]  }
0x28: {  	s2 =	sld [smem:$0x3FB0]  }
0x29: {  	s4 =	sld [smem:$0x3FB2]  }
0x2a: {  	p0 =	seq.s32 s5, $0x0;
	s5 =	sld [smem:$0x3FB3]  }
0x2b: {  	s6 =	sld [smem:$0x3FB4]  }
0x2c: {  	s7 =	sld [smem:$0x3FB5]  }
0x2d: {  	s3 =	simm.s32 $0x108;
	s8 =	sld [smem:$0x3FB6]  }
0x2e: {  	s3 =	simm.s32 @!p0 $0x1082;
	s9 =	sld [smem:$0x3FB7]  }
0x2f: {  	lr =	sadd.s32 s0, s3;
	s0 =	sld [smem:$0x3FAE]  }
0x30: {  	s3 =	sld [smem:$0x3FB1]  }
0x31: {  	[smem:$0x3FBA] =	sst s10  }
0x32: {  	s10 =	sld [smem:$0x3FB8];
	_ =	sdelay $0x3  }
0x33: {  	p0 =	seq.s32 s10, $0x1;
	s10 =	sld [smem:$0x3FBA];
	_ =	sdelay $0x3  }
0x34: {  	[smem:$0x3FBA] =	sst s10  }
0x35: {  	s10 =	sld [smem:$0x3FB9];
	_ =	sdelay $0x3  }
0x36: {  	p1 =	seq.s32 s10, $0x1;
	s10 =	sld [smem:$0x3FBA];
	_ =	sdelay $0x3  }
0x37: {  	[smem:$0x3FBA] =	sst s10  }
0x38: {  	s10 =	sld [smem:$0x3FBB]  }
0x39: {  	_ = 	snop;
	(pc) =	sbr.ind lr, $3  }
0x3a: {  	_ = 	snop  }
0x3b: {  	_ = 	snop  }
0x3c: {  	p2 =	seq.s32 s10, $0x1;
	s10 =	sld [smem:$0x3FBA]  }
0x3d: {  	_ =	shalt  }
0x3e: {  	_ =	shalt  }
0x3f: {  	_ =	shalt  }
0x40: {  	_ =	shalt  }
0x41: {  	_ =	shalt  }
0x42: {  	_ =	shalt  }
0x43: {  	_ =	shalt  }
0x44: {  	_ =	shalt  }
0x45: {  	_ =	shalt  }
0x46: {  	_ =	shalt  }
0x47: {  	_ =	shalt  }
0x48: {  	_ =	shalt  }
0x49: {  	_ =	shalt  }
0x4a: {  	_ =	shalt  }
0x4b: {  	_ =	shalt  }
0x4c: {  	_ =	shalt  }
0x4d: {  	_ =	shalt  }
0x4e: {  	_ =	shalt  }
0x4f: {  	_ =	shalt  }
0x50: {  	_ =	shalt  }
0x51: {  	_ =	shalt  }
0x52: {  	_ =	shalt  }
0x53: {  	_ =	shalt  }
0x54: {  	_ =	shalt  }
0x55: {  	_ =	shalt  }
0x56: {  	_ =	shalt  }
0x57: {  	_ =	shalt  }
0x58: {  	_ =	shalt  }
0x59: {  	_ =	shalt  }
0x5a: {  	_ =	shalt  }
0x5b: {  	_ =	shalt  }
0x5c: {  	_ =	shalt  }
0x5d: {  	_ =	shalt  }
0x5e: {  	_ =	shalt  }
0x5f: {  	_ =	shalt  }
0x60: {  	_ =	shalt  }
0x61: {  	_ =	shalt  }
0x62: {  	_ =	shalt  }
0x63: {  	_ =	shalt  }
0x64: {  	_ =	shalt  }
0x65: {  	_ =	shalt  }
0x66: {  	_ =	shalt  }
0x67: {  	_ =	shalt  }
0x68: {  	_ =	shalt  }
0x69: {  	_ =	shalt  }
0x6a: {  	_ =	shalt  }
0x6b: {  	_ =	shalt  }
0x6c: {  	_ =	shalt  }
0x6d: {  	_ =	shalt  }
0x6e: {  	_ =	shalt  }
0x6f: {  	_ =	shalt  }
0x70: {  	_ =	shalt  }
0x71: {  	_ =	shalt  }
0x72: {  	_ =	shalt  }
0x73: {  	_ =	shalt  }
0x74: {  	_ =	shalt  }
0x75: {  	_ =	shalt  }
0x76: {  	_ =	shalt  }
0x77: {  	_ =	shalt  }
0x78: {  	_ =	shalt  }
0x79: {  	_ =	shalt  }
0x7a: {  	_ =	shalt  }
0x7b: {  	_ =	shalt  }
0x7c: {  	_ =	shalt  }
0x7d: {  	_ =	shalt  }
0x7e: {  	_ =	shalt  }
0x7f: {  	_ =	shalt  }
0x80: {  	_ =	shalt  }
0x81: {  	_ =	shalt  }
0x82: {  	_ =	shalt  }
0x83: {  	_ =	shalt  }
0x84: {  	_ =	shalt  }
0x85: {  	_ =	shalt  }
0x86: {  	_ =	shalt  }
0x87: {  	_ =	shalt  }
.Lfunc_end0:
.L_simem_size_0:
called_computation_lowered:
.L_overlay_start_0:
0x88: {  	s2 =	sld [smem:$0x3FD9]  }
0x89: {  	s3 =	sld [smem:$0x3FFE];
	_ =	sdelay $0x1  }
0x8a: {  	s1 =	srdreg.scid  }
0x8b: {  	s0 =	sand.u32 $0x1, s1  }
0x8c: {  	s14 =	sshll.u32 s0, $0xA;
	s2 =	sadd.s32 s3, s2  }
0x8d: {  	s2 =	sadd.s32 s2, s14  }
0x8e: {  	[smem:$0x3FC6] =	sst s2  }
0x8f: {  	_ = 	snop  }
0x90: {  	s2 =	sld [smem:$0x3FD0];
	_ =	sdelay $0x2  }
0x91: {  	s4 =	simm.s32 $0xA;
	s5 =	simm.s32 $0x10;
	s15 =	sld [smem:$0x3FC8]  }
0x92: {  	[smem:s5], [sflag:s4] =	dma.local [hbm:s2], $0x1  }
0x93: {  	_ =	swait.eq [sflag:s4], $0x1  }
0x94: {  	[sflag:s4] =	ssyncset.done $0x0  }
0x95: {  	s16 =	sld [smem:$0x10];
	[sflag:s4] =	ssyncadd.s32 $0xFFFFFFFF  }
0x96: {  	s17 =	sld [smem:$0x11];
	(tm) =	ssettm $0x1  }
0x97: {  	s18 =	sld [smem:$0x3FFB];
	_ =	sdelay $0x3  }
0x98: {  	_ =	strace s18  }
0x99: {  	s5 =	sld [smem:$0x3FFC];
	_ =	sdelay $0x3  }
0x9a: {  	_ =	strace s5  }
0x9b: {  	s5 =	sld [smem:$0x3FFD];
	_ =	sdelay $0x3  }
0x9c: {  	_ =	strace s5  }
0x9d: {  	_ =	strace $0x8FFFFFFF  }
0x9e: {  	s19 =	sld [smem:$0x3FDB];
	_ =	sdelay $0x1  }
0x9f: {  	s6 =	simm.s32 $_scs_section_size  }
0xa0: {  	s7 =	simm.s32 $_size__tile_overlayer_lowered;
	s8 =	simm.s32 $_tile_overlayer_lowered  }
0xa1: {  	s22 =	simm.s32 $0x1BFF;
	s21 =	sshll.u32 s8, $0x1;
	s5 =	sadd.s32 s6, s19  }
0xa2: {  	s9 =	simm.s32 $0x0;
	s20 =	sshll.u32 s7, $0x1;
	s7 =	sadd.s32 s21, s5  }
0xa3: {  	[timem:s9], [sflag:s22] =	dma.local [hbm:s7], s20  }
0xa4: {  	_ =	swait.ge [sflag:s22], s20  }
0xa5: {  	s6 =	ssub.s32 $0x0, s20;
	[sflag:s22] =	ssyncset.done $0x0  }
0xa6: {  	[sflag:s22] =	ssyncadd.s32 s6;
	_ =	sdelay $0x1  }
0xa7: {  	s23 =	simm.s32 $0x1B8B  }
0xa8: {  	_ =	swait.ge [sflag:s23], $0x1  }
0xa9: {  	[sflag:s23] =	ssyncset.done $0x0  }
0xaa: {  	s25 =	simm.s32 $0x1B8E;
	s24 =	sld [smem:$0x3FFE];
	[sflag:s23] =	ssyncadd.s32 $0xFFFFFFFF  }
0xab: {  	s26 =	simm.s32 $execute0_lowered;
	[smem:$0x3FD2] =	sst s25  }
0xac: {  	s7 =	sshll.u32 s26, $0x1;
	_ =	strace $0x80000046;
	[dreg:$0x1] =	wrdreg $0xFFFFFFFF  }
0xad: {  	s28 =	simm.s32 $_size_execute0_lowered;
	s5 =	sadd.s32 s5, s7;
	[dreg:$0x0] =	wrdreg $0x0  }
0xae: {  	s7 =	sshll.u32 s28, $0x1;
	[dreg:$0x2] =	wrdreg s5  }
0xaf: {  	[dreg:$0x3] =	wrdreg s7  }
0xb0: {  	[dreg:$0x4] =	wrdreg $0xC0  }
0xb1: {  	_ =	task [dreg:s9], $0x5FFFF  }
0xb2: {  	[dreg:$0x1] =	wrdreg $0xFFFFFFFF  }
0xb3: {  	[dreg:$0x0] =	wrdreg $0x60  }
0xb4: {  	[dreg:$0x2] =	wrdreg s24  }
0xb5: {  	[dreg:$0x3] =	wrdreg s15  }
0xb6: {  	[dreg:$0x4] =	wrdreg s16  }
0xb7: {  	[dreg:$0x5] =	wrdreg s17  }
0xb8: {  	[dreg:$0x6] =	wrdreg $0x9  }
0xb9: {  	_ =	task.clear_ibuf [dreg:s9], $0x7FFFF;
	_ =	strace $0x90000046  }
0xba: {  	s29 =	simm.s32 $0x9;
	_ =	strace $0x80000048  }
0xbb: {  	_ =	swait.ge [sflag:s29], $0x1  }
0xbc: {  	[sflag:s29] =	ssyncadd.s32 $0xFFFFFFFF  }
0xbd: {  	_ =	strace $0x90000048  }
0xbe: {  	_ =	sfence  }
0xbf: {  	s30 =	sld [smem:$0x0];
	_ =	sdelay $0x2  }
0xc0: {  	s31 =	sshll.u32 s1, $0xD;
	s1 =	sshrl.u32 s1, $0x2  }
0xc1: {  	s3 =	sand.u32 $0x4000, s31;
	s1 =	sadd.s32 s1, s30  }
0xc2: {  	s0 =	sor.u32 s3, s0;
	s1 =	sshll.u32 s1, $0x11  }
0xc3: {  	s0 =	sor.u32 s1, s0  }
0xc4: {  	s0 =	sadd.s32 $0x8F2B, s0  }
0xc5: {  	[sflag:s0] =	ssyncadd.remote.s32 $0x1  }
0xc6: {  	_ =	sfence.sel $0xFFFF  }
0xc7: {  	[dreg:$0x0] =	wrdreg $0xFFFFFFFF;
	(pc) =	sbr.abs _section_cstart, $3  }
0xc8: {  	[dreg:$0x1] =	wrdreg $0xFFFFFFFF  }
0xc9: {  	_ =	task.clear_ibuf [dreg:s9], $0x2FFFF;
	_ =	strace $0x9FFFFFFF  }
0xca: {  	(tm) =	ssettm $0x7FFFFFFF  }
0xcb: {  	_ =	shalt  }
tec
execute0_lowered:
.L_overlay_start_1:
0x0: {  	(tag) =	ssettag $0x1  }
0x1: {  	s0 =	srdreg.scid  }
0x2: {  	s31 =	stileid.u32;
	s6 =	sand.u32 $0x1, s0  }
0x3: {  	s7 =	sshll.u32 s31, $0x1;
	s8 =	ssub.s32 $0x0, s6  }
0x4: {  	p0 =	sne.s32 s7, s8  }
.Ltmp0:
0x5: {  	_ = 	snop;
	(pc) =	sbr.rel @p0 .LBB2_5-.Ltmp0, $4  }
0x6: {  	_ = 	snop  }
0x7: {  	s5 =	rddreg [dreg:$0x0]  }
0x8: {  	s3 =	rddreg [dreg:$0x2]  }
0x9: {  	s4 =	rddreg [dreg:$0x3];
	_ =	strace $0x80000047  }
0xa: {  	s6 =	ssub.s32 $0x2, s6  }
0xb: {  	s5 =	sadd.s32 $0x600, s5;
	s8 =	simm.s32 $0x1;
	s7 =	sshrl.u32 s6, $0x1  }
0xc: {  	s9 =	simm.s32 $0x2000;
	s10 =	simm.s32 $0x2800;
	s6 =	ssub.s32 s6, s7  }
0xd: {  	v0 =	vlaneseq.u32;
	s11 =	simm.s32 $0x0;
	s7 =	simm.s32 $0x0;
	s6 =	smax.u32 s6, $0x1  }
.LBB2_2:
0xe: {  	[tilespmem:s7], [sflag:$0x1] =	stream.linear.gather [hbm4b:s5+s7], $0x2000, $0x38;
	[tilespmem:$0x3800] =	vst v63  }
0xf: {  	_ =	swait.ge [sflag:s8], $0x2000  }
0x10: {  	[sflag:s8] =	ssyncset.done $0x0  }
0x11: {  	[sflag:s8] =	ssyncadd.s32 $0xFFFFE000  }
0x12: {  	s0 =	rddreg [dreg:$0x1]  }
0x13: {  	[tilespmem:s9], [sflag:$0x1] =	stream.linear.gather [hbm4b:s0+s7], $0x800, $0x38;
	[tilespmem:$0x3800] =	vst v63  }
0x14: {  	_ =	swait.ge [sflag:s8], $0x800  }
0x15: {  	[sflag:s8] =	ssyncset.done $0x0  }
0x16: {  	[sflag:s8] =	ssyncadd.s32 $0xFFFFF800  }
0x17: {  	v2 =	vld [tilespmem:$0x2000]  }
0x18: {  	v1 =	vld [tilespmem:$0x2080];
	_ =	sdelay $0x3  }
0x19: {  	(v2sf) =	vpush v2, $0x0  }
0x1a: {  	(v2sf) =	vpush v1, $0x0  }
0x1b: {  	(v2sf) =	vpush v2, $0x1  }
0x1c: {  	(v2sf) =	vpush v1, $0x1;
	_ =	sdelay $0xb  }
0x1d: {  	s13 =	spop (v2sf)  }
0x1e: {  	s17 =	spop (v2sf)  }
0x1f: {  	s14 =	simm.s32 $0x2800;
	s12 =	spop (v2sf)  }
0x20: {  	s15 =	simm.s32 $0x0;
	s16 =	simm.s32 $0x0;
	s18 =	spop (v2sf)  }
.LBB2_3:
0x21: {  	s19 =	sand.u32 $0x70, s16;
	s20 =	sand.u32 $0x1F00, s15  }
0x22: {  	s19 =	sor.u32 s19, s20  }
0x23: {  	v4 =	vld [tilespmem:s19+$0x0];
	_ =	sdelay $0x2  }
0x24: {  	v3 =	vld [tilespmem:s19+$0x80];
	_ =	sdelay $0x1  }
0x25: {  	(v2sf) =	vpush v4, $0x0;
	_ =	sdelay $0x2  }
0x26: {  	(v2sf) =	vpush v3, $0x0;
	_ =	sdelay $0x5  }
0x27: {  	(v2sf) =	vpush v4, $0x1;
	_ =	sdelay $0x5  }
0x28: {  	s28 =	spop (v2sf);
	(v2sf) =	vpush v3, $0x1  }
0x29: {  	s29 =	ssub.f32 s28, s13  }
0x2a: {  	s19 =	ssub.f32 s28, s17  }
0x2b: {  	s22 =	spop (v2sf);
	(v2sf) =	vpush v4, $0x2;
	s21 =	smul.f32 s29, s29  }
0x2c: {  	s23 =	smul.f32 s19, s19  }
0x2d: {  	s20 =	smul.f32 $5.000000000e-01, s29  }
0x2e: {  	s24 =	ssub.f32 s22, s12;
	s19 =	smul.f32 $5.000000000e-01, s19  }
0x2f: {  	(v2sf) =	vpush v3, $0x2;
	s20 =	sadd.f32 s20, s13;
	p3 =	slt.f32 s21, s23  }
0x30: {  	s19 =	sadd.f32 s19, s17  }
0x31: {  	s22 =	ssub.f32 s22, s18;
	s30 =	spop (v2sf);
	s13 =	smov.u32 @p3 s20  }
0x32: {  	s24 =	smul.f32 $5.000000000e-01, s24;
	s19 =	smov.u32 @p3 s17;
	s31 =	ssub.f32 s30, s13  }
0x33: {  	s22 =	smul.f32 $5.000000000e-01, s22;
	s20 =	ssub.f32 s30, s19  }
0x34: {  	s0 =	smul.f32 s31, s31  }
0x35: {  	s21 =	sadd.f32 s24, s12;
	s2 =	smul.f32 s20, s20  }
0x36: {  	s22 =	sadd.f32 s22, s18;
	s17 =	smul.f32 $5.000000000e-01, s31  }
0x37: {  	s20 =	smul.f32 $5.000000000e-01, s20;
	s1 =	spop (v2sf);
	(v2sf) =	vpush v4, $0x3  }
0x38: {  	s17 =	sadd.f32 s17, s13  }
0x39: {  	s12 =	smov.u32 @p3 s21;
	s20 =	sadd.f32 s20, s19;
	p4 =	slt.f32 s0, s2  }
0x3a: {  	s22 =	smov.u32 @p3 s18;
	s25 =	ssub.f32 s1, s12;
	s26 =	spop (v2sf);
	(v2sf) =	vpush v3, $0x3  }
0x3b: {  	s13 =	smov.u32 @p4 s17;
	s21 =	ssub.f32 s1, s22  }
0x3c: {  	s20 =	smov.u32 @p4 s19;
	s28 =	ssub.f32 s26, s13  }
0x3d: {  	s17 =	ssub.f32 s26, s20;
	s24 =	smul.f32 $5.000000000e-01, s25  }
0x3e: {  	s30 =	spop (v2sf);
	s21 =	smul.f32 $5.000000000e-01, s21  }
0x3f: {  	(v2sf) =	vpush v4, $0x4;
	s19 =	smul.f32 $5.000000000e-01, s28;
	s18 =	sadd.f32 s24, s12  }
0x40: {  	s31 =	smul.f32 s17, s17;
	s21 =	sadd.f32 s21, s22  }
0x41: {  	s17 =	smul.f32 $5.000000000e-01, s17;
	s19 =	sadd.f32 s19, s13;
	s12 =	smov.u32 @p4 s18  }
0x42: {  	s29 =	smul.f32 s28, s28;
	s0 =	ssub.f32 s30, s12  }
0x43: {  	s17 =	sadd.f32 s17, s20  }
0x44: {  	p5 =	slt.f32 s29, s31;
	s21 =	smov.u32 @p4 s22;
	s24 =	smul.f32 $5.000000000e-01, s0  }
0x45: {  	s22 =	ssub.f32 s30, s21  }
0x46: {  	s13 =	smov.u32 @p5 s19;
	s18 =	sadd.f32 s24, s12;
	s1 =	spop (v2sf);
	(v2sf) =	vpush v3, $0x4  }
0x47: {  	s17 =	smov.u32 @p5 s20;
	s2 =	ssub.f32 s1, s13  }
0x48: {  	s22 =	smul.f32 $5.000000000e-01, s22;
	s19 =	ssub.f32 s1, s17  }
0x49: {  	s25 =	spop (v2sf);
	(v2sf) =	vpush v4, $0x5;
	s23 =	smul.f32 s2, s2  }
0x4a: {  	s26 =	smul.f32 s19, s19  }
0x4b: {  	s22 =	sadd.f32 s22, s21;
	s12 =	smov.u32 @p5 s18;
	s20 =	smul.f32 $5.000000000e-01, s2  }
0x4c: {  	s28 =	ssub.f32 s25, s12;
	s18 =	smul.f32 $5.000000000e-01, s19  }
0x4d: {  	s20 =	sadd.f32 s20, s13;
	p2 =	slt.f32 s23, s26  }
0x4e: {  	s22 =	smov.u32 @p5 s21;
	s29 =	spop (v2sf);
	(v2sf) =	vpush v3, $0x5;
	s18 =	sadd.f32 s18, s17  }
0x4f: {  	s21 =	ssub.f32 s25, s22;
	s13 =	smov.u32 @p2 s20  }
0x50: {  	s24 =	smul.f32 $5.000000000e-01, s28;
	s18 =	smov.u32 @p2 s17;
	s30 =	ssub.f32 s29, s13  }
0x51: {  	s21 =	smul.f32 $5.000000000e-01, s21;
	s31 =	ssub.f32 s29, s18  }
0x52: {  	s0 =	smul.f32 s30, s30  }
0x53: {  	s19 =	sadd.f32 s24, s12;
	s2 =	smul.f32 s31, s31  }
0x54: {  	s21 =	sadd.f32 s21, s22;
	s17 =	smul.f32 $5.000000000e-01, s30  }
0x55: {  	s12 =	smov.u32 @p2 s19;
	s19 =	smul.f32 $5.000000000e-01, s31;
	s1 =	spop (v2sf);
	(v2sf) =	vpush v4, $0x6  }
0x56: {  	s17 =	sadd.f32 s17, s13  }
0x57: {  	s19 =	sadd.f32 s19, s18;
	p1 =	slt.f32 s0, s2  }
0x58: {  	s21 =	smov.u32 @p2 s22;
	s25 =	ssub.f32 s1, s12;
	s26 =	spop (v2sf);
	(v2sf) =	vpush v3, $0x6  }
0x59: {  	s13 =	smov.u32 @p1 s17;
	s22 =	ssub.f32 s1, s21  }
0x5a: {  	s19 =	smov.u32 @p1 s18;
	s28 =	ssub.f32 s26, s13;
	s24 =	smul.f32 $5.000000000e-01, s25  }
0x5b: {  	s17 =	ssub.f32 s26, s19;
	s22 =	smul.f32 $5.000000000e-01, s22  }
0x5c: {  	s18 =	smul.f32 $5.000000000e-01, s28;
	s20 =	sadd.f32 s24, s12  }
0x5d: {  	s30 =	spop (v2sf);
	(v2sf) =	vpush v4, $0x7;
	s22 =	sadd.f32 s22, s21  }
0x5e: {  	s31 =	smul.f32 s17, s17;
	s18 =	sadd.f32 s18, s13;
	s12 =	smov.u32 @p1 s20  }
0x5f: {  	s17 =	smul.f32 $5.000000000e-01, s17;
	s22 =	smov.u32 @p1 s21;
	s0 =	ssub.f32 s30, s12  }
0x60: {  	s29 =	smul.f32 s28, s28;
	s21 =	ssub.f32 s30, s22  }
0x61: {  	s25 =	sadd.f32 s17, s19;
	s24 =	smul.f32 $5.000000000e-01, s0  }
0x62: {  	p0 =	slt.f32 s29, s31;
	s1 =	smul.f32 $5.000000000e-01, s21  }
0x63: {  	s20 =	sadd.f32 s24, s12  }
0x64: {  	s13 =	smov.u32 @p0 s18;
	s21 =	sadd.f32 s1, s22;
	s2 =	spop (v2sf);
	(v2sf) =	vpush v3, $0x7  }
0x65: {  	s25 =	smov.u32 @p0 s19;
	s18 =	ssub.f32 s2, s13  }
0x66: {  	s17 =	ssub.f32 s2, s25  }
0x67: {  	s21 =	smov.u32 @p0 s22;
	s26 =	spop (v2sf);
	(v2sf) =	vpush v4, $0x8;
	s22 =	smul.f32 s18, s18  }
0x68: {  	s28 =	smul.f32 s17, s17  }
0x69: {  	s12 =	smov.u32 @p0 s20;
	s18 =	smul.f32 $5.000000000e-01, s18  }
0x6a: {  	s29 =	ssub.f32 s26, s12;
	s17 =	smul.f32 $5.000000000e-01, s17  }
0x6b: {  	s18 =	sadd.f32 s18, s13;
	p6 =	slt.f32 s22, s28  }
0x6c: {  	s30 =	spop (v2sf);
	(v2sf) =	vpush v3, $0x8;
	s24 =	sadd.f32 s17, s25  }
0x6d: {  	s20 =	ssub.f32 s26, s21;
	s13 =	smov.u32 @p6 s18  }
0x6e: {  	s23 =	smul.f32 $5.000000000e-01, s29;
	s24 =	smov.u32 @p6 s25;
	s31 =	ssub.f32 s30, s13  }
0x6f: {  	s20 =	smul.f32 $5.000000000e-01, s20;
	s18 =	ssub.f32 s30, s24  }
0x70: {  	s0 =	smul.f32 s31, s31  }
0x71: {  	p3 =	por !p3, !p3;
	s2 =	smul.f32 s18, s18  }
0x72: {  	s17 =	simm.s32 $0x1;
	s19 =	sadd.f32 s23, s12;
	s22 =	smul.f32 $5.000000000e-01, s31  }
0x73: {  	s17 =	simm.s32 @!p3 $0x0;
	s20 =	sadd.f32 s20, s21;
	s1 =	spop (v2sf);
	(v2sf) =	vpush v4, $0x9  }
0x74: {  	s12 =	smov.u32 @p6 s19;
	s22 =	sadd.f32 s22, s13;
	p3 =	slt.f32 s0, s2  }
0x75: {  	s20 =	smov.u32 @p6 s21;
	s18 =	smul.f32 $5.000000000e-01, s18;
	s26 =	ssub.f32 s1, s12  }
0x76: {  	s13 =	smov.u32 @p3 s22;
	s21 =	ssub.f32 s1, s20;
	s28 =	spop (v2sf)  }
0x77: {  	(v2sf) =	vpush v3, $0x9;
	s29 =	ssub.f32 s28, s13;
	s25 =	smul.f32 $5.000000000e-01, s26  }
0x78: {  	s26 =	sadd.f32 s18, s24;
	s21 =	smul.f32 $5.000000000e-01, s21  }
0x79: {  	s19 =	sadd.f32 s25, s12  }
0x7a: {  	s23 =	smul.f32 $5.000000000e-01, s29;
	s21 =	sadd.f32 s21, s20;
	s26 =	smov.u32 @p3 s24  }
0x7b: {  	s0 =	spop (v2sf);
	s30 =	ssub.f32 s28, s26  }
0x7c: {  	s31 =	smul.f32 s29, s29;
	s23 =	sadd.f32 s23, s13;
	s12 =	smov.u32 @p3 s19  }
0x7d: {  	(v2sf) =	vpush v4, $0xA;
	s21 =	smov.u32 @p3 s20;
	s2 =	ssub.f32 s0, s12;
	s19 =	smul.f32 $5.000000000e-01, s30  }
0x7e: {  	s1 =	smul.f32 s30, s30;
	s22 =	ssub.f32 s0, s21  }
0x7f: {  	s18 =	simm.s32 $0x0;
	s25 =	smul.f32 $5.000000000e-01, s2;
	s28 =	sadd.f32 s19, s26  }
0x80: {  	s18 =	simm.s32 @!p4 $0x2;
	s22 =	smul.f32 $5.000000000e-01, s22;
	p4 =	slt.f32 s31, s1  }
0x81: {  	s20 =	sadd.f32 s25, s12  }
0x82: {  	s22 =	sadd.f32 s22, s21;
	s13 =	smov.u32 @p4 s23;
	s25 =	spop (v2sf)  }
0x83: {  	s0 =	simm.s32 @!p4 $0x0;
	s28 =	smov.u32 @p4 s26;
	s29 =	ssub.f32 s25, s13  }
0x84: {  	s0 =	simm.s32 @p4 $0x1;
	s30 =	ssub.f32 s25, s28  }
0x85: {  	[smem:$0x7FD] =	sst s0;
	(v2sf) =	vpush v3, $0xA;
	s31 =	smul.f32 s29, s29  }
0x86: {  	s12 =	smov.u32 @p4 s20;
	s0 =	spop (v2sf);
	s1 =	smul.f32 s30, s30  }
0x87: {  	(v2sf) =	vpush v4, $0xB;
	s2 =	ssub.f32 s0, s12;
	s24 =	smul.f32 $5.000000000e-01, s29  }
0x88: {  	s22 =	smov.u32 @p4 s21;
	s20 =	smul.f32 $5.000000000e-01, s30  }
0x89: {  	s19 =	simm.s32 $0x0;
	s23 =	ssub.f32 s0, s22;
	s26 =	smul.f32 $5.000000000e-01, s2  }
0x8a: {  	s19 =	simm.s32 @!p5 $0x4;
	s24 =	sadd.f32 s24, s13;
	p5 =	slt.f32 s31, s1  }
0x8b: {  	s29 =	sadd.f32 s20, s28  }
0x8c: {  	s21 =	sadd.f32 s26, s12;
	s26 =	spop (v2sf);
	s13 =	smov.u32 @p5 s24  }
0x8d: {  	s30 =	ssub.f32 s26, s13  }
0x8e: {  	s23 =	smul.f32 $5.000000000e-01, s23;
	s29 =	smov.u32 @p5 s28  }
0x8f: {  	(v2sf) =	vpush v3, $0xB;
	s31 =	ssub.f32 s26, s29;
	s0 =	smul.f32 s30, s30  }
0x90: {  	s25 =	smul.f32 $5.000000000e-01, s30  }
0x91: {  	s23 =	sadd.f32 s23, s22;
	(v2sf) =	vpush v4, $0xC;
	s2 =	smul.f32 $5.000000000e-01, s31  }
0x92: {  	s12 =	smov.u32 @p5 s21;
	s21 =	smul.f32 s31, s31;
	s25 =	sadd.f32 s25, s13  }
0x93: {  	s26 =	sadd.f32 s2, s29  }
0x94: {  	p4 =	slt.f32 s0, s21;
	s1 =	spop (v2sf);
	(v2sf) =	vpush v3, $0xC  }
0x95: {  	s23 =	smov.u32 @p5 s22;
	s30 =	ssub.f32 s1, s12  }
0x96: {  	s13 =	smov.u32 @p4 s25;
	s31 =	ssub.f32 s1, s23;
	s0 =	spop (v2sf)  }
0x97: {  	s26 =	smov.u32 @p4 s29;
	s25 =	ssub.f32 s0, s13;
	s28 =	smul.f32 $5.000000000e-01, s30  }
0x98: {  	s22 =	ssub.f32 s0, s26;
	s1 =	smul.f32 $5.000000000e-01, s31  }
0x99: {  	s2 =	smul.f32 s25, s25  }
0x9a: {  	(v2sf) =	vpush v4, $0xD;
	s30 =	smul.f32 s22, s22  }
0x9b: {  	s22 =	smul.f32 $5.000000000e-01, s22;
	s24 =	sadd.f32 s28, s12  }
0x9c: {  	s20 =	simm.s32 $0x0;
	s0 =	smul.f32 $5.000000000e-01, s25;
	s28 =	sadd.f32 s1, s23  }
0x9d: {  	s20 =	simm.s32 @!p2 $0x8;
	p2 =	slt.f32 s2, s30;
	s30 =	sadd.f32 s22, s26  }
0x9e: {  	s31 =	spop (v2sf);
	(v2sf) =	vpush v3, $0xD;
	s12 =	smov.u32 @p4 s24;
	s24 =	sadd.f32 s0, s13  }
0x9f: {  	s28 =	smov.u32 @p4 s23;
	s1 =	ssub.f32 s31, s12  }
0xa0: {  	s2 =	spop (v2sf);
	s31 =	ssub.f32 s31, s28;
	s30 =	smov.u32 @p2 s26  }
0xa1: {  	s13 =	smov.u32 @p2 s24;
	s26 =	ssub.f32 s2, s30;
	s25 =	smul.f32 $5.000000000e-01, s1  }
0xa2: {  	s0 =	ssub.f32 s2, s13;
	s1 =	smul.f32 $5.000000000e-01, s31  }
0xa3: {  	s2 =	smul.f32 s26, s26;
	s29 =	spop (v2sf);
	(v2sf) =	vpush v4, $0xE  }
0xa4: {  	s17 =	sor.u32 s17, s18;
	s31 =	smul.f32 s0, s0  }
0xa5: {  	s21 =	simm.s32 $0x0;
	s25 =	sadd.f32 s25, s12;
	s23 =	smul.f32 $5.000000000e-01, s0  }
0xa6: {  	s18 =	sld [smem:$0x7FD];
	s21 =	simm.s32 @!p1 $0x10;
	s26 =	smul.f32 $5.000000000e-01, s26  }
0xa7: {  	s12 =	smov.u32 @p2 s25;
	s25 =	sadd.f32 s23, s13;
	p1 =	slt.f32 s31, s2  }
0xa8: {  	s2 =	sadd.f32 s26, s30  }
0xa9: {  	s31 =	ssub.f32 s29, s12;
	s13 =	smov.u32 @p1 s25;
	s0 =	spop (v2sf)  }
0xaa: {  	s2 =	smov.u32 @p1 s30;
	s30 =	ssub.f32 s0, s13  }
0xab: {  	s25 =	ssub.f32 s0, s2;
	s26 =	smul.f32 $5.000000000e-01, s31  }
0xac: {  	s24 =	sadd.f32 s1, s28;
	(v2sf) =	vpush v3, $0xE;
	s0 =	smul.f32 s30, s30  }
0xad: {  	s17 =	sor.u32 s19, s17;
	s31 =	spop (v2sf);
	(v2sf) =	vpush v4, $0xF;
	s1 =	smul.f32 s25, s25  }
0xae: {  	s17 =	sor.u32 s20, s17;
	s24 =	smov.u32 @p2 s28;
	s30 =	smul.f32 $5.000000000e-01, s30  }
0xaf: {  	s23 =	simm.s32 $0x0;
	s29 =	ssub.f32 s29, s24;
	s25 =	smul.f32 $5.000000000e-01, s25  }
0xb0: {  	s23 =	simm.s32 @!p6 $0x40;
	p6 =	slt.f32 s0, s1;
	s0 =	sadd.f32 s30, s13  }
0xb1: {  	s20 =	simm.s32 $0x0;
	s17 =	sor.u32 s21, s17;
	s25 =	sadd.f32 s25, s2  }
0xb2: {  	s26 =	sadd.f32 s26, s12;
	s13 =	smov.u32 @p6 s0;
	s1 =	spop (v2sf)  }
0xb3: {  	s21 =	simm.s32 $0x0;
	s25 =	smov.u32 @p6 s2;
	s2 =	ssub.f32 s1, s13  }
0xb4: {  	s22 =	simm.s32 $0x0;
	s29 =	smul.f32 $5.000000000e-01, s29;
	s28 =	ssub.f32 s1, s25  }
0xb5: {  	s22 =	simm.s32 @!p0 $0x20;
	s12 =	smov.u32 @p1 s26;
	s30 =	smul.f32 s2, s2  }
0xb6: {  	s17 =	sor.u32 s22, s17;
	(v2sf) =	vpush v3, $0xF;
	s1 =	ssub.f32 s31, s12;
	s26 =	smul.f32 s28, s28  }
0xb7: {  	s21 =	simm.s32 @!p2 $0x800;
	s29 =	sadd.f32 s29, s24;
	s2 =	smul.f32 $5.000000000e-01, s2  }
0xb8: {  	s17 =	sor.u32 s23, s17;
	s1 =	smul.f32 $5.000000000e-01, s1;
	p0 =	slt.f32 s30, s26  }
0xb9: {  	s20 =	simm.s32 @!p1 $0x1000;
	s30 =	smul.f32 $5.000000000e-01, s28;
	s2 =	sadd.f32 s2, s13  }
0xba: {  	s29 =	smov.u32 @p1 s24;
	s0 =	simm.s32 $0x0;
	s1 =	sadd.f32 s1, s12  }
0xbb: {  	s0 =	simm.s32 @!p3 $0x80;
	s28 =	spop (v2sf);
	s24 =	sadd.f32 s30, s25  }
0xbc: {  	s26 =	spop (v2sf);
	s13 =	smov.u32 @p0 s2;
	s30 =	ssub.f32 s31, s29  }
0xbd: {  	p3 =	seq.s32 s18, $0x1;
	s24 =	smov.u32 @p0 s25;
	s25 =	ssub.f32 s26, s13  }
0xbe: {  	s0 =	sor.u32 s0, s17;
	s30 =	smul.f32 $5.000000000e-01, s30;
	s2 =	ssub.f32 s26, s24  }
0xbf: {  	s12 =	smov.u32 @p6 s1;
	s1 =	simm.s32 $0x0;
	s31 =	smul.f32 s25, s25  }
0xc0: {  	s26 =	simm.s32 $0x0;
	s19 =	sadd.f32 s30, s29;
	s18 =	smul.f32 s2, s2  }
0xc1: {  	s1 =	simm.s32 @!p4 $0x400;
	s26 =	simm.s32 @!p3 $0x100;
	s25 =	smul.f32 $5.000000000e-01, s25  }
0xc2: {  	s19 =	smov.u32 @p6 s29;
	s29 =	ssub.f32 s28, s12;
	p3 =	slt.f32 s31, s18  }
0xc3: {  	s18 =	simm.s32 $0x0;
	s30 =	ssub.f32 s28, s19;
	s28 =	smul.f32 $5.000000000e-01, s2  }
0xc4: {  	s0 =	sor.u32 s26, s0;
	s18 =	simm.s32 @!p5 $0x200;
	s31 =	smul.f32 $5.000000000e-01, s29  }
0xc5: {  	s23 =	spop (v2sf);
	s22 =	smul.f32 $5.000000000e-01, s30;
	s0 =	sor.u32 s18, s0  }
0xc6: {  	s18 =	simm.s32 $0x0;
	s17 =	sadd.f32 s31, s12;
	s0 =	sor.u32 s1, s0  }
0xc7: {  	s1 =	simm.s32 $0x0;
	s18 =	simm.s32 @!p3 $0x8000;
	s22 =	sadd.f32 s22, s19  }
0xc8: {  	s1 =	simm.s32 @!p6 $0x2000;
	s0 =	sor.u32 s21, s0;
	s12 =	smov.u32 @p0 s17  }
0xc9: {  	s17 =	simm.s32 $0x0;
	s22 =	smov.u32 @p0 s19;
	s26 =	ssub.f32 s23, s12  }
0xca: {  	s0 =	sor.u32 s20, s0;
	s17 =	simm.s32 @!p0 $0x4000;
	s29 =	ssub.f32 s23, s22  }
0xcb: {  	s0 =	sor.u32 s1, s0;
	s19 =	sadd.f32 s25, s13;
	s30 =	smul.f32 $5.000000000e-01, s26  }
0xcc: {  	p0 =	sne.s32 s16, $0xFF0;
	s0 =	sor.u32 s17, s0;
	s31 =	smul.f32 $5.000000000e-01, s29  }
.Ltmp1:
0xcd: {  	s17 =	sadd.f32 s28, s24;
	s0 =	sor.u32 s18, s0;
	(pc) =	sbr.rel @p0 .LBB2_3-.Ltmp1, $4  }
0xce: {  	v3 =	vmov s0;
	s2 =	sadd.f32 s30, s12  }
0xcf: {  	s15 =	sadd.s32 $0x20, s15;
	v3 =	vshrl.u32 v3, v0;
	s18 =	sadd.f32 s31, s22  }
0xd0: {  	s16 =	sadd.s32 $0x10, s16;
	s13 =	smov.u32 @p3 s19;
	s17 =	smov.u32 @p3 s24;
	v3 =	vand.u32 $0x1, v3  }
0xd1: {  	s12 =	smov.u32 @p3 s2;
	[tilespmem:s14+$0x0] =	vst v3;
	s14 =	sadd.s32 $0x10, s14;
	s18 =	smov.u32 @p3 s22  }
0xd2: {  	vm0 =	veq.s32 v0, $0x0  }
0xd3: {  	vm1 =	veq.s32 v0, $0x1;
	v2 =	vsel vm0, s13, v2  }
0xd4: {  	v1 =	vsel vm0, s17, v1;
	v2 =	vsel vm1, s12, v2  }
0xd5: {  	v1 =	vsel vm1, s18, v1;
	[tilespmem:$0x2000] =	vst v2  }
0xd6: {  	[tilespmem:$0x2080] =	vst v1  }
0xd7: {  	[hbm4b:s3+s7] =	stream.linear.scatter [tilespmem:s9], [sflag:$0x1], $0x800, $0x38;
	[tilespmem:$0x3800] =	vst v63  }
0xd8: {  	s11 =	sadd.s32 $0x1, s11;
	_ =	swait.ge [sflag:s8], $0x800  }
0xd9: {  	p0 =	sne.s32 s11, s6;
	[sflag:s8] =	ssyncset.done $0x0  }
.Ltmp2:
0xda: {  	[sflag:s8] =	ssyncadd.s32 $0xFFFFF800;
	(pc) =	sbr.rel @p0 .LBB2_2-.Ltmp2, $4  }
0xdb: {  	[hbm4b:s4+s7] =	stream.linear.scatter [tilespmem:s10], [sflag:$0x1], $0x1000, $0x38;
	[tilespmem:$0x3800] =	vst v63  }
0xdc: {  	_ =	swait.ge [sflag:s8], $0x1000  }
0xdd: {  	[sflag:s8] =	ssyncset.done $0x0  }
0xde: {  	[sflag:s8] =	ssyncadd.s32 $0xFFFFF000  }
.LBB2_5:
0xdf: {  	_ =	sfence.sel $0x180000  }
0xe0: {  	[bflag:$0x0] =	sbarrier.arrive $0xFFFF  }
0xe1: {  	_ =	strace $0x90000047  }
0xe2: {  	s0 =	stileid.u32;
	[bflag:$0x2] =	sbarrier.arrive $0xFFFF  }
0xe3: {  	p0 =	sne.s32 s0, $0x0;
	s0 =	rddreg [dreg:$0x4]  }
0xe4: {  	s0 =	sadd.s32 @!p0 $0x100000, s0  }
0xe5: {  	[sflag:s0] =	ssyncadd.tile.s32 @!p0 $0x1;
	_ =	shalt  }
.Lfunc_end2:
_tile_overlayer_lowered:
.L_overlay_start_2:
0xe6: {  	(tag) =	ssettag $0x2  }
0xe7: {  	s0 =	rddreg [dreg:$0x0];
	s2 =	stileid.u32  }
0xe8: {  	s1 =	rddreg [dreg:$0x1];
	p0 =	sne.s32 s2, $0x0  }
0xe9: {  	s3 =	rddreg [dreg:$0x2];
	[bflag:$0x3] =	sbarrier.arrive $0xFFFF;
	s2 =	simm.s32 @!p0 $0x1C01  }
0xea: {  	[timem:s3], [sflag:s2] =	dma.local @!p0 [hbm:s0], s1  }
0xeb: {  	s0 =	simm.s32 @!p0 $0x1  }
0xec: {  	_ =	swait.ge @!p0 [sflag:s0], s1  }
0xed: {  	s1 =	ssub.s32 @!p0 $0x0, s1;
	[sflag:s0] =	ssyncset.done @!p0 $0x0  }
0xee: {  	[sflag:s0] =	ssyncadd.s32 @!p0 s1  }
0xef: {  	[bflag:$0x3] =	sbarrier.arrive $0xFFFF  }
0xf0: {  	_ =	shalt  }

</sc_bundles>
